<compile_context>
chip_gen: v7x
topology: tpu7x:2x2x1
jax: 0.10.2.dev20260603
libtpu: 0.0.44.dev20260713+nightly
codegen_flags: <defaults>
</compile_context>

<pallas_src>
import functools

import jax
import jax.numpy as jnp
from jax import lax
from jax.experimental import pallas as pl
from jax.experimental.pallas import tpu as pltpu
from jax.experimental.pallas import tpu_sc as plsc

EMB_DIM = 64
NUM_CORES = 2
NUM_SUBCORES = 16
NUM_WORKERS = NUM_CORES * NUM_SUBCORES
CHUNK = 128
NBUF = 5


@functools.lru_cache(maxsize=None)
def _build(num_idx):
    assert num_idx % (NUM_WORKERS * CHUNK) == 0
    per_worker = num_idx // NUM_WORKERS
    nchunk = per_worker // CHUNK
    assert nchunk % NBUF == 0 and nchunk >= 2 * NBUF

    mesh = plsc.VectorSubcoreMesh(core_axis_name="c", subcore_axis_name="s")

    @functools.partial(
        pl.kernel,
        out_type=jax.ShapeDtypeStruct((num_idx, EMB_DIM), jnp.float32),
        mesh=mesh,
        scratch_types=[
            pltpu.VMEM((nchunk, CHUNK), jnp.int32),
            pltpu.VMEM((NBUF, CHUNK, EMB_DIM), jnp.float32),
            pltpu.SemaphoreType.DMA((NBUF,)),
            pltpu.SemaphoreType.DMA((NBUF,)),
        ],
        compiler_params=pltpu.CompilerParams(use_tc_tiling_on_sc=False),
    )
    def emb_kernel(idx_hbm, table_hbm, out_hbm, idx_v, rows_v, gsem, ssem):
        wid = lax.axis_index("s") * NUM_CORES + lax.axis_index("c")
        row_base = wid * per_worker

        pltpu.sync_copy(idx_hbm.at[wid], idx_v)

        def start_gather(j, b):
            pltpu.async_copy(table_hbm.at[idx_v.at[j]], rows_v.at[b],
                             gsem.at[b])

        def wait_gather(b):
            pltpu.make_async_copy(table_hbm.at[idx_v.at[0]], rows_v.at[b],
                                  gsem.at[b]).wait()

        def start_store(j, b):
            pltpu.async_copy(rows_v.at[b],
                             out_hbm.at[pl.ds(row_base + j * CHUNK, CHUNK)],
                             ssem.at[b])

        def wait_store(b):
            pltpu.make_async_copy(
                rows_v.at[b],
                out_hbm.at[pl.ds(row_base, CHUNK)],
                ssem.at[b]).wait()

        for b in range(NBUF):
            start_gather(b, b)

        @pl.loop(0, nchunk - NBUF, step=NBUF)
        def _(g):
            for b in range(NBUF):
                j = g + b
                wait_gather(b)
                start_store(j, b)
                wait_store(b)
                start_gather(j + NBUF, b)

        for b in range(NBUF):
            wait_gather(b)
            start_store(nchunk - NBUF + b, b)
        for b in range(NBUF):
            wait_store(b)

    return emb_kernel


def kernel(x, table):
    num_idx = x.size
    idx = x.reshape(NUM_WORKERS, num_idx // (NUM_WORKERS * CHUNK), CHUNK)
    idx = idx.astype(jnp.int32)
    out = _build(num_idx)(idx, table)
    return out.reshape(x.shape + (EMB_DIM,))

# --- scband reference (transcript-rebuilt; emitter-appended) ---
"""Pipeline reference for scband-scaled-embedding-2516850836142 (READ-ONLY COPY).

The authoritative reference and input builder live on the scoring server;
editing this copy changes nothing except your own understanding.
"""

import jax, jax.numpy as jnp
import numpy as np

NUM_EMBEDDINGS = 1000000
EMBEDDING_DIM = 64
SCALE = 1.0


def setup_inputs(seed: int = 0) -> dict:
    key = jax.random.key(seed)
    k1, k2 = jax.random.split(key)
    x = jax.random.randint(k1, (4096, 50), 0, NUM_EMBEDDINGS, dtype=jnp.int64 if jax.config.jax_enable_x64 else jnp.int32)
    # nn.Embedding default init: N(0, 1)
    table = jax.random.normal(k2, (NUM_EMBEDDINGS, EMBEDDING_DIM), dtype=jnp.float32)
    return {"x": x, "table": table}


def reference(x, table):
    out = jnp.take(table, x, axis=0)
    return out * SCALE

if __name__ == "__main__":
    import jax
    _d = setup_inputs()
    print(jax.jit(kernel)(*tuple(_d.values())))

</pallas_src>

<mosaic_0001>
#map = affine_map<(d0, d1) -> (0, 0, 0)>
#map1 = affine_map<(d0, d1) -> (0, 0)>
module attributes {stable_mosaic.version = 14 : i64} {
  func.func @emb_kernel(%arg0: i32, %arg1: i32, %arg2: memref<32x50x128xi32, #tpu.memory_space<hbm>>, %arg3: memref<1000000x64xf32, #tpu.memory_space<hbm>>, %arg4: memref<204800x64xf32, #tpu.memory_space<hbm>>, %arg5: memref<50x128xi32, #tpu.memory_space<vmem>>, %arg6: memref<5x128x64xf32, #tpu.memory_space<vmem>>, %arg7: memref<5x!tpu.dma_semaphore, #tpu.memory_space<semaphore_mem>>, %arg8: memref<5x!tpu.dma_semaphore, #tpu.memory_space<semaphore_mem>>) attributes {dimension_semantics = [#tpu.dimension_semantics<core_parallel>, #tpu.dimension_semantics<subcore_parallel>], iteration_bounds = array<i64: 2, 16>, scalar_prefetch = 0 : i64, scratch_operands = 4 : i64, tpu.core_type = #tpu.core_type<sc_vector_subcore>, window_params = [{transform_indices = #map}, {transform_indices = #map1}, {transform_indices = #map1}]} {
    %mul3A = arith.constant 2 : i32
    %mul3A_0 = arith.muli %arg1, %mul3A : i32
    %add3A = arith.addi %mul3A_0, %arg0 : i32
    %mul3A_1 = arith.constant 6400 : i32
    %mul3A_2 = arith.muli %add3A, %mul3A_1 : i32
    "tpu.region"() ({
      %run_scoped3A = tpu.sem_alloc : memref<!tpu.dma_semaphore, #tpu.memory_space<semaphore_mem>>
      %dma_start3A_325 = arith.constant 0 : i32
      %dma_start3A_326 = arith.constant 0 : i32
      %dma_start3A_327 = tpu.memref_slice %arg2[%add3A, %dma_start3A_325, %dma_start3A_326] : memref<32x50x128xi32, #tpu.memory_space<hbm>> -> memref<1x50x128xi32, #tpu.memory_space<hbm>>
      %dma_start3A_328 = tpu.memref_squeeze %dma_start3A_327 : memref<1x50x128xi32, #tpu.memory_space<hbm>> -> memref<50x128xi32, #tpu.memory_space<hbm>>
      %dma_start3A_329 = arith.constant 0 : i32
      %dma_start3A_330 = arith.constant 0 : i32
      %dma_start3A_331 = tpu.memref_slice %arg2[%add3A, %dma_start3A_329, %dma_start3A_330] : memref<32x50x128xi32, #tpu.memory_space<hbm>> -> memref<1x50x128xi32, #tpu.memory_space<hbm>>
      %dma_start3A_332 = tpu.memref_squeeze %dma_start3A_331 : memref<1x50x128xi32, #tpu.memory_space<hbm>> -> memref<50x128xi32, #tpu.memory_space<hbm>>
      tpu.enqueue_dma source(%dma_start3A_332 : memref<50x128xi32, #tpu.memory_space<hbm>>) target(%arg5 : memref<50x128xi32, #tpu.memory_space<vmem>>) target_semaphore(%run_scoped3A : memref<!tpu.dma_semaphore, #tpu.memory_space<semaphore_mem>>)
      %dma_wait3A_333 = arith.constant 0 : i32
      %dma_wait3A_334 = arith.constant 0 : i32
      %dma_wait3A_335 = tpu.memref_slice %arg2[%add3A, %dma_wait3A_333, %dma_wait3A_334] : memref<32x50x128xi32, #tpu.memory_space<hbm>> -> memref<1x50x128xi32, #tpu.memory_space<hbm>>
      %dma_wait3A_336 = tpu.memref_squeeze %dma_wait3A_335 : memref<1x50x128xi32, #tpu.memory_space<hbm>> -> memref<50x128xi32, #tpu.memory_space<hbm>>
      %dma_wait3A_337 = arith.constant 0 : i32
      %dma_wait3A_338 = arith.constant 0 : i32
      %dma_wait3A_339 = tpu.memref_slice %arg2[%add3A, %dma_wait3A_337, %dma_wait3A_338] : memref<32x50x128xi32, #tpu.memory_space<hbm>> -> memref<1x50x128xi32, #tpu.memory_space<hbm>>
      %dma_wait3A_340 = tpu.memref_squeeze %dma_wait3A_339 : memref<1x50x128xi32, #tpu.memory_space<hbm>> -> memref<50x128xi32, #tpu.memory_space<hbm>>
      tpu.wait_dma2 semaphore(%run_scoped3A : memref<!tpu.dma_semaphore, #tpu.memory_space<semaphore_mem>>) src(%dma_wait3A_340 : memref<50x128xi32, #tpu.memory_space<hbm>>) dst(%arg5 : memref<50x128xi32, #tpu.memory_space<vmem>>)
      tpu.yield
    }) : () -> ()
    %dma_start3A = arith.constant 0 : i32
    %dma_start3A_3 = arith.constant 0 : i32
    %dma_start3A_4 = arith.constant 0 : i32
    %dma_start3A_5 = arith.constant 0 : i32
    %dma_start3A_6 = arith.constant 0 : i32
    %dma_start3A_7 = tpu.memref_slice %arg6[%dma_start3A_3, %dma_start3A_5, %dma_start3A_6] : memref<5x128x64xf32, #tpu.memory_space<vmem>> -> memref<1x128x64xf32, #tpu.memory_space<vmem>>
    %dma_start3A_8 = tpu.memref_squeeze %dma_start3A_7 : memref<1x128x64xf32, #tpu.memory_space<vmem>> -> memref<128x64xf32, #tpu.memory_space<vmem>>
    %dma_start3A_9 = arith.constant 0 : i32
    %dma_start3A_10 = tpu.memref_slice %arg5[%dma_start3A, %dma_start3A_9] : memref<50x128xi32, #tpu.memory_space<vmem>> -> memref<1x128xi32, #tpu.memory_space<vmem>>
    %dma_start3A_11 = tpu.memref_squeeze %dma_start3A_10 : memref<1x128xi32, #tpu.memory_space<vmem>> -> memref<128xi32, #tpu.memory_space<vmem>>
    %dma_start3A_12 = arith.constant 0 : i32
    %dma_start3A_13 = arith.constant 0 : i32
    %dma_start3A_14 = tpu.memref_slice %arg3[%dma_start3A_12, %dma_start3A_13] : memref<1000000x64xf32, #tpu.memory_space<hbm>> -> memref<1000000x64xf32, #tpu.memory_space<hbm>>
    %dma_start3A_15 = tpu.memref_slice %arg7[%dma_start3A_4] : memref<5x!tpu.dma_semaphore, #tpu.memory_space<semaphore_mem>> -> memref<1x!tpu.dma_semaphore, #tpu.memory_space<semaphore_mem>>
    %dma_start3A_16 = tpu.memref_squeeze %dma_start3A_15 : memref<1x!tpu.dma_semaphore, #tpu.memory_space<semaphore_mem>> -> memref<!tpu.dma_semaphore, #tpu.memory_space<semaphore_mem>>
    tpu.enqueue_indirect_dma source(%dma_start3A_14 : memref<1000000x64xf32, #tpu.memory_space<hbm>>) target(%dma_start3A_8 : memref<128x64xf32, #tpu.memory_space<vmem>>) offsets(%dma_start3A_11 : memref<128xi32, #tpu.memory_space<vmem>>) semaphore(%dma_start3A_16 : memref<!tpu.dma_semaphore, #tpu.memory_space<semaphore_mem>>)
    %dma_start3A_17 = arith.constant 1 : i32
    %dma_start3A_18 = arith.constant 1 : i32
    %dma_start3A_19 = arith.constant 1 : i32
    %dma_start3A_20 = arith.constant 0 : i32
    %dma_start3A_21 = arith.constant 0 : i32
    %dma_start3A_22 = tpu.memref_slice %arg6[%dma_start3A_18, %dma_start3A_20, %dma_start3A_21] : memref<5x128x64xf32, #tpu.memory_space<vmem>> -> memref<1x128x64xf32, #tpu.memory_space<vmem>>
    %dma_start3A_23 = tpu.memref_squeeze %dma_start3A_22 : memref<1x128x64xf32, #tpu.memory_space<vmem>> -> memref<128x64xf32, #tpu.memory_space<vmem>>
    %dma_start3A_24 = arith.constant 0 : i32
    %dma_start3A_25 = tpu.memref_slice %arg5[%dma_start3A_17, %dma_start3A_24] : memref<50x128xi32, #tpu.memory_space<vmem>> -> memref<1x128xi32, #tpu.memory_space<vmem>>
    %dma_start3A_26 = tpu.memref_squeeze %dma_start3A_25 : memref<1x128xi32, #tpu.memory_space<vmem>> -> memref<128xi32, #tpu.memory_space<vmem>>
    %dma_start3A_27 = arith.constant 0 : i32
    %dma_start3A_28 = arith.constant 0 : i32
    %dma_start3A_29 = tpu.memref_slice %arg3[%dma_start3A_27, %dma_start3A_28] : memref<1000000x64xf32, #tpu.memory_space<hbm>> -> memref<1000000x64xf32, #tpu.memory_space<hbm>>
    %dma_start3A_30 = tpu.memref_slice %arg7[%dma_start3A_19] : memref<5x!tpu.dma_semaphore, #tpu.memory_space<semaphore_mem>> -> memref<1x!tpu.dma_semaphore, #tpu.memory_space<semaphore_mem>>
    %dma_start3A_31 = tpu.memref_squeeze %dma_start3A_30 : memref<1x!tpu.dma_semaphore, #tpu.memory_space<semaphore_mem>> -> memref<!tpu.dma_semaphore, #tpu.memory_space<semaphore_mem>>
    tpu.enqueue_indirect_dma source(%dma_start3A_29 : memref<1000000x64xf32, #tpu.memory_space<hbm>>) target(%dma_start3A_23 : memref<128x64xf32, #tpu.memory_space<vmem>>) offsets(%dma_start3A_26 : memref<128xi32, #tpu.memory_space<vmem>>) semaphore(%dma_start3A_31 : memref<!tpu.dma_semaphore, #tpu.memory_space<semaphore_mem>>)
    %dma_start3A_32 = arith.constant 2 : i32
    %dma_start3A_33 = arith.constant 2 : i32
    %dma_start3A_34 = arith.constant 2 : i32
    %dma_start3A_35 = arith.constant 0 : i32
    %dma_start3A_36 = arith.constant 0 : i32
    %dma_start3A_37 = tpu.memref_slice %arg6[%dma_start3A_33, %dma_start3A_35, %dma_start3A_36] : memref<5x128x64xf32, #tpu.memory_space<vmem>> -> memref<1x128x64xf32, #tpu.memory_space<vmem>>
    %dma_start3A_38 = tpu.memref_squeeze %dma_start3A_37 : memref<1x128x64xf32, #tpu.memory_space<vmem>> -> memref<128x64xf32, #tpu.memory_space<vmem>>
    %dma_start3A_39 = arith.constant 0 : i32
    %dma_start3A_40 = tpu.memref_slice %arg5[%dma_start3A_32, %dma_start3A_39] : memref<50x128xi32, #tpu.memory_space<vmem>> -> memref<1x128xi32, #tpu.memory_space<vmem>>
    %dma_start3A_41 = tpu.memref_squeeze %dma_start3A_40 : memref<1x128xi32, #tpu.memory_space<vmem>> -> memref<128xi32, #tpu.memory_space<vmem>>
    %dma_start3A_42 = arith.constant 0 : i32
    %dma_start3A_43 = arith.constant 0 : i32
    %dma_start3A_44 = tpu.memref_slice %arg3[%dma_start3A_42, %dma_start3A_43] : memref<1000000x64xf32, #tpu.memory_space<hbm>> -> memref<1000000x64xf32, #tpu.memory_space<hbm>>
    %dma_start3A_45 = tpu.memref_slice %arg7[%dma_start3A_34] : memref<5x!tpu.dma_semaphore, #tpu.memory_space<semaphore_mem>> -> memref<1x!tpu.dma_semaphore, #tpu.memory_space<semaphore_mem>>
    %dma_start3A_46 = tpu.memref_squeeze %dma_start3A_45 : memref<1x!tpu.dma_semaphore, #tpu.memory_space<semaphore_mem>> -> memref<!tpu.dma_semaphore, #tpu.memory_space<semaphore_mem>>
    tpu.enqueue_indirect_dma source(%dma_start3A_44 : memref<1000000x64xf32, #tpu.memory_space<hbm>>) target(%dma_start3A_38 : memref<128x64xf32, #tpu.memory_space<vmem>>) offsets(%dma_start3A_41 : memref<128xi32, #tpu.memory_space<vmem>>) semaphore(%dma_start3A_46 : memref<!tpu.dma_semaphore, #tpu.memory_space<semaphore_mem>>)
    %dma_start3A_47 = arith.constant 3 : i32
    %dma_start3A_48 = arith.constant 3 : i32
    %dma_start3A_49 = arith.constant 3 : i32
    %dma_start3A_50 = arith.constant 0 : i32
    %dma_start3A_51 = arith.constant 0 : i32
    %dma_start3A_52 = tpu.memref_slice %arg6[%dma_start3A_48, %dma_start3A_50, %dma_start3A_51] : memref<5x128x64xf32, #tpu.memory_space<vmem>> -> memref<1x128x64xf32, #tpu.memory_space<vmem>>
    %dma_start3A_53 = tpu.memref_squeeze %dma_start3A_52 : memref<1x128x64xf32, #tpu.memory_space<vmem>> -> memref<128x64xf32, #tpu.memory_space<vmem>>
    %dma_start3A_54 = arith.constant 0 : i32
    %dma_start3A_55 = tpu.memref_slice %arg5[%dma_start3A_47, %dma_start3A_54] : memref<50x128xi32, #tpu.memory_space<vmem>> -> memref<1x128xi32, #tpu.memory_space<vmem>>
    %dma_start3A_56 = tpu.memref_squeeze %dma_start3A_55 : memref<1x128xi32, #tpu.memory_space<vmem>> -> memref<128xi32, #tpu.memory_space<vmem>>
    %dma_start3A_57 = arith.constant 0 : i32
    %dma_start3A_58 = arith.constant 0 : i32
    %dma_start3A_59 = tpu.memref_slice %arg3[%dma_start3A_57, %dma_start3A_58] : memref<1000000x64xf32, #tpu.memory_space<hbm>> -> memref<1000000x64xf32, #tpu.memory_space<hbm>>
    %dma_start3A_60 = tpu.memref_slice %arg7[%dma_start3A_49] : memref<5x!tpu.dma_semaphore, #tpu.memory_space<semaphore_mem>> -> memref<1x!tpu.dma_semaphore, #tpu.memory_space<semaphore_mem>>
    %dma_start3A_61 = tpu.memref_squeeze %dma_start3A_60 : memref<1x!tpu.dma_semaphore, #tpu.memory_space<semaphore_mem>> -> memref<!tpu.dma_semaphore, #tpu.memory_space<semaphore_mem>>
    tpu.enqueue_indirect_dma source(%dma_start3A_59 : memref<1000000x64xf32, #tpu.memory_space<hbm>>) target(%dma_start3A_53 : memref<128x64xf32, #tpu.memory_space<vmem>>) offsets(%dma_start3A_56 : memref<128xi32, #tpu.memory_space<vmem>>) semaphore(%dma_start3A_61 : memref<!tpu.dma_semaphore, #tpu.memory_space<semaphore_mem>>)
    %dma_start3A_62 = arith.constant 4 : i32
    %dma_start3A_63 = arith.constant 4 : i32
    %dma_start3A_64 = arith.constant 4 : i32
    %dma_start3A_65 = arith.constant 0 : i32
    %dma_start3A_66 = arith.constant 0 : i32
    %dma_start3A_67 = tpu.memref_slice %arg6[%dma_start3A_63, %dma_start3A_65, %dma_start3A_66] : memref<5x128x64xf32, #tpu.memory_space<vmem>> -> memref<1x128x64xf32, #tpu.memory_space<vmem>>
    %dma_start3A_68 = tpu.memref_squeeze %dma_start3A_67 : memref<1x128x64xf32, #tpu.memory_space<vmem>> -> memref<128x64xf32, #tpu.memory_space<vmem>>
    %dma_start3A_69 = arith.constant 0 : i32
    %dma_start3A_70 = tpu.memref_slice %arg5[%dma_start3A_62, %dma_start3A_69] : memref<50x128xi32, #tpu.memory_space<vmem>> -> memref<1x128xi32, #tpu.memory_space<vmem>>
    %dma_start3A_71 = tpu.memref_squeeze %dma_start3A_70 : memref<1x128xi32, #tpu.memory_space<vmem>> -> memref<128xi32, #tpu.memory_space<vmem>>
    %dma_start3A_72 = arith.constant 0 : i32
    %dma_start3A_73 = arith.constant 0 : i32
    %dma_start3A_74 = tpu.memref_slice %arg3[%dma_start3A_72, %dma_start3A_73] : memref<1000000x64xf32, #tpu.memory_space<hbm>> -> memref<1000000x64xf32, #tpu.memory_space<hbm>>
    %dma_start3A_75 = tpu.memref_slice %arg7[%dma_start3A_64] : memref<5x!tpu.dma_semaphore, #tpu.memory_space<semaphore_mem>> -> memref<1x!tpu.dma_semaphore, #tpu.memory_space<semaphore_mem>>
    %dma_start3A_76 = tpu.memref_squeeze %dma_start3A_75 : memref<1x!tpu.dma_semaphore, #tpu.memory_space<semaphore_mem>> -> memref<!tpu.dma_semaphore, #tpu.memory_space<semaphore_mem>>
    tpu.enqueue_indirect_dma source(%dma_start3A_74 : memref<1000000x64xf32, #tpu.memory_space<hbm>>) target(%dma_start3A_68 : memref<128x64xf32, #tpu.memory_space<vmem>>) offsets(%dma_start3A_71 : memref<128xi32, #tpu.memory_space<vmem>>) semaphore(%dma_start3A_76 : memref<!tpu.dma_semaphore, #tpu.memory_space<semaphore_mem>>)
    %scan3A = arith.constant 0 : i32
    %scan3A_77 = arith.constant 9 : i32
    %scan3A_78 = arith.addi %scan3A, %scan3A_77 : i32
    %scan3A_79 = arith.constant 1 : i32
    scf.for %scan3A_325 = %scan3A to %scan3A_78 step %scan3A_79  : i32 {
      %mul3A_326 = arith.constant 5 : i32
      %mul3A_327 = arith.muli %scan3A_325, %mul3A_326 : i32
      %add3A_328 = arith.constant 0 : i32
      %add3A_329 = arith.addi %add3A_328, %mul3A_327 : i32
      %add3A_330 = arith.constant 0 : i32
      %add3A_331 = arith.addi %add3A_329, %add3A_330 : i32
      %dma_wait3A_332 = arith.constant 0 : i32
      %dma_wait3A_333 = arith.constant 0 : i32
      %dma_wait3A_334 = arith.constant 0 : i32
      %dma_wait3A_335 = arith.constant 0 : i32
      %dma_wait3A_336 = arith.constant 0 : i32
      %dma_wait3A_337 = tpu.memref_slice %arg6[%dma_wait3A_333, %dma_wait3A_335, %dma_wait3A_336] : memref<5x128x64xf32, #tpu.memory_space<vmem>> -> memref<1x128x64xf32, #tpu.memory_space<vmem>>
      %dma_wait3A_338 = tpu.memref_squeeze %dma_wait3A_337 : memref<1x128x64xf32, #tpu.memory_space<vmem>> -> memref<128x64xf32, #tpu.memory_space<vmem>>
      %dma_wait3A_339 = arith.constant 0 : i32
      %dma_wait3A_340 = tpu.memref_slice %arg5[%dma_wait3A_332, %dma_wait3A_339] : memref<50x128xi32, #tpu.memory_space<vmem>> -> memref<1x128xi32, #tpu.memory_space<vmem>>
      %dma_wait3A_341 = tpu.memref_squeeze %dma_wait3A_340 : memref<1x128xi32, #tpu.memory_space<vmem>> -> memref<128xi32, #tpu.memory_space<vmem>>
      %dma_wait3A_342 = arith.constant 0 : i32
      %dma_wait3A_343 = arith.constant 0 : i32
      %dma_wait3A_344 = tpu.memref_slice %arg3[%dma_wait3A_342, %dma_wait3A_343] : memref<1000000x64xf32, #tpu.memory_space<hbm>> -> memref<1000000x64xf32, #tpu.memory_space<hbm>>
      %dma_wait3A_345 = tpu.memref_slice %arg7[%dma_wait3A_334] : memref<5x!tpu.dma_semaphore, #tpu.memory_space<semaphore_mem>> -> memref<1x!tpu.dma_semaphore, #tpu.memory_space<semaphore_mem>>
      %dma_wait3A_346 = tpu.memref_squeeze %dma_wait3A_345 : memref<1x!tpu.dma_semaphore, #tpu.memory_space<semaphore_mem>> -> memref<!tpu.dma_semaphore, #tpu.memory_space<semaphore_mem>>
      tpu.wait_indirect_dma semaphore(%dma_wait3A_346 : memref<!tpu.dma_semaphore, #tpu.memory_space<semaphore_mem>>) src(%dma_wait3A_344 : memref<1000000x64xf32, #tpu.memory_space<hbm>>) dst(%dma_wait3A_338 : memref<128x64xf32, #tpu.memory_space<vmem>>)
      %mul3A_347 = arith.constant 128 : i32
      %mul3A_348 = arith.muli %add3A_331, %mul3A_347 : i32
      %add3A_349 = arith.addi %mul3A_2, %mul3A_348 : i32
      %dma_start3A_350 = arith.constant 0 : i32
      %dma_start3A_351 = arith.constant 0 : i32
      %dma_start3A_352 = arith.constant 0 : i32
      %dma_start3A_353 = arith.constant 0 : i32
      %dma_start3A_354 = tpu.memref_slice %arg6[%dma_start3A_350, %dma_start3A_352, %dma_start3A_353] : memref<5x128x64xf32, #tpu.memory_space<vmem>> -> memref<1x128x64xf32, #tpu.memory_space<vmem>>
      %dma_start3A_355 = tpu.memref_squeeze %dma_start3A_354 : memref<1x128x64xf32, #tpu.memory_space<vmem>> -> memref<128x64xf32, #tpu.memory_space<vmem>>
      %dma_start3A_356 = arith.constant 0 : i32
      %dma_start3A_357 = tpu.memref_slice %arg4[%add3A_349, %dma_start3A_356] : memref<204800x64xf32, #tpu.memory_space<hbm>> -> memref<128x64xf32, #tpu.memory_space<hbm>>
      %dma_start3A_358 = tpu.memref_slice %arg8[%dma_start3A_351] : memref<5x!tpu.dma_semaphore, #tpu.memory_space<semaphore_mem>> -> memref<1x!tpu.dma_semaphore, #tpu.memory_space<semaphore_mem>>
      %dma_start3A_359 = tpu.memref_squeeze %dma_start3A_358 : memref<1x!tpu.dma_semaphore, #tpu.memory_space<semaphore_mem>> -> memref<!tpu.dma_semaphore, #tpu.memory_space<semaphore_mem>>
      %dma_start3A_360 = arith.constant 0 : i32
      %dma_start3A_361 = tpu.memref_slice %arg4[%add3A_349, %dma_start3A_360] : memref<204800x64xf32, #tpu.memory_space<hbm>> -> memref<128x64xf32, #tpu.memory_space<hbm>>
      %dma_start3A_362 = arith.constant 0 : i32
      %dma_start3A_363 = arith.constant 0 : i32
      %dma_start3A_364 = tpu.memref_slice %arg6[%dma_start3A_350, %dma_start3A_362, %dma_start3A_363] : memref<5x128x64xf32, #tpu.memory_space<vmem>> -> memref<1x128x64xf32, #tpu.memory_space<vmem>>
      %dma_start3A_365 = tpu.memref_squeeze %dma_start3A_364 : memref<1x128x64xf32, #tpu.memory_space<vmem>> -> memref<128x64xf32, #tpu.memory_space<vmem>>
      tpu.enqueue_dma source(%dma_start3A_365 : memref<128x64xf32, #tpu.memory_space<vmem>>) target(%dma_start3A_361 : memref<128x64xf32, #tpu.memory_space<hbm>>) target_semaphore(%dma_start3A_359 : memref<!tpu.dma_semaphore, #tpu.memory_space<semaphore_mem>>)
      %dma_wait3A_366 = arith.constant 0 : i32
      %dma_wait3A_367 = arith.constant 0 : i32
      %dma_wait3A_368 = arith.constant 0 : i32
      %dma_wait3A_369 = arith.constant 0 : i32
      %dma_wait3A_370 = tpu.memref_slice %arg6[%dma_wait3A_366, %dma_wait3A_368, %dma_wait3A_369] : memref<5x128x64xf32, #tpu.memory_space<vmem>> -> memref<1x128x64xf32, #tpu.memory_space<vmem>>
      %dma_wait3A_371 = tpu.memref_squeeze %dma_wait3A_370 : memref<1x128x64xf32, #tpu.memory_space<vmem>> -> memref<128x64xf32, #tpu.memory_space<vmem>>
      %dma_wait3A_372 = arith.constant 0 : i32
      %dma_wait3A_373 = tpu.memref_slice %arg4[%mul3A_2, %dma_wait3A_372] : memref<204800x64xf32, #tpu.memory_space<hbm>> -> memref<128x64xf32, #tpu.memory_space<hbm>>
      %dma_wait3A_374 = tpu.memref_slice %arg8[%dma_wait3A_367] : memref<5x!tpu.dma_semaphore, #tpu.memory_space<semaphore_mem>> -> memref<1x!tpu.dma_semaphore, #tpu.memory_space<semaphore_mem>>
      %dma_wait3A_375 = tpu.memref_squeeze %dma_wait3A_374 : memref<1x!tpu.dma_semaphore, #tpu.memory_space<semaphore_mem>> -> memref<!tpu.dma_semaphore, #tpu.memory_space<semaphore_mem>>
      %dma_wait3A_376 = arith.constant 0 : i32
      %dma_wait3A_377 = tpu.memref_slice %arg4[%mul3A_2, %dma_wait3A_376] : memref<204800x64xf32, #tpu.memory_space<hbm>> -> memref<128x64xf32, #tpu.memory_space<hbm>>
      %dma_wait3A_378 = arith.constant 0 : i32
      %dma_wait3A_379 = arith.constant 0 : i32
      %dma_wait3A_380 = tpu.memref_slice %arg6[%dma_wait3A_366, %dma_wait3A_378, %dma_wait3A_379] : memref<5x128x64xf32, #tpu.memory_space<vmem>> -> memref<1x128x64xf32, #tpu.memory_space<vmem>>
      %dma_wait3A_381 = tpu.memref_squeeze %dma_wait3A_380 : memref<1x128x64xf32, #tpu.memory_space<vmem>> -> memref<128x64xf32, #tpu.memory_space<vmem>>
      tpu.wait_dma2 semaphore(%dma_wait3A_375 : memref<!tpu.dma_semaphore, #tpu.memory_space<semaphore_mem>>) src(%dma_wait3A_381 : memref<128x64xf32, #tpu.memory_space<vmem>>) dst(%dma_wait3A_377 : memref<128x64xf32, #tpu.memory_space<hbm>>)
      %add3A_382 = arith.constant 5 : i32
      %add3A_383 = arith.addi %add3A_331, %add3A_382 : i32
      %dma_start3A_384 = arith.constant 0 : i32
      %dma_start3A_385 = arith.constant 0 : i32
      %dma_start3A_386 = arith.constant 0 : i32
      %dma_start3A_387 = arith.constant 0 : i32
      %dma_start3A_388 = tpu.memref_slice %arg6[%dma_start3A_384, %dma_start3A_386, %dma_start3A_387] : memref<5x128x64xf32, #tpu.memory_space<vmem>> -> memref<1x128x64xf32, #tpu.memory_space<vmem>>
      %dma_start3A_389 = tpu.memref_squeeze %dma_start3A_388 : memref<1x128x64xf32, #tpu.memory_space<vmem>> -> memref<128x64xf32, #tpu.memory_space<vmem>>
      %dma_start3A_390 = arith.constant 0 : i32
      %dma_start3A_391 = tpu.memref_slice %arg5[%add3A_383, %dma_start3A_390] : memref<50x128xi32, #tpu.memory_space<vmem>> -> memref<1x128xi32, #tpu.memory_space<vmem>>
      %dma_start3A_392 = tpu.memref_squeeze %dma_start3A_391 : memref<1x128xi32, #tpu.memory_space<vmem>> -> memref<128xi32, #tpu.memory_space<vmem>>
      %dma_start3A_393 = arith.constant 0 : i32
      %dma_start3A_394 = arith.constant 0 : i32
      %dma_start3A_395 = tpu.memref_slice %arg3[%dma_start3A_393, %dma_start3A_394] : memref<1000000x64xf32, #tpu.memory_space<hbm>> -> memref<1000000x64xf32, #tpu.memory_space<hbm>>
      %dma_start3A_396 = tpu.memref_slice %arg7[%dma_start3A_385] : memref<5x!tpu.dma_semaphore, #tpu.memory_space<semaphore_mem>> -> memref<1x!tpu.dma_semaphore, #tpu.memory_space<semaphore_mem>>
      %dma_start3A_397 = tpu.memref_squeeze %dma_start3A_396 : memref<1x!tpu.dma_semaphore, #tpu.memory_space<semaphore_mem>> -> memref<!tpu.dma_semaphore, #tpu.memory_space<semaphore_mem>>
      tpu.enqueue_indirect_dma source(%dma_start3A_395 : memref<1000000x64xf32, #tpu.memory_space<hbm>>) target(%dma_start3A_389 : memref<128x64xf32, #tpu.memory_space<vmem>>) offsets(%dma_start3A_392 : memref<128xi32, #tpu.memory_space<vmem>>) semaphore(%dma_start3A_397 : memref<!tpu.dma_semaphore, #tpu.memory_space<semaphore_mem>>)
      %add3A_398 = arith.constant 1 : i32
      %add3A_399 = arith.addi %add3A_329, %add3A_398 : i32
      %dma_wait3A_400 = arith.constant 0 : i32
      %dma_wait3A_401 = arith.constant 1 : i32
      %dma_wait3A_402 = arith.constant 1 : i32
      %dma_wait3A_403 = arith.constant 0 : i32
      %dma_wait3A_404 = arith.constant 0 : i32
      %dma_wait3A_405 = tpu.memref_slice %arg6[%dma_wait3A_401, %dma_wait3A_403, %dma_wait3A_404] : memref<5x128x64xf32, #tpu.memory_space<vmem>> -> memref<1x128x64xf32, #tpu.memory_space<vmem>>
      %dma_wait3A_406 = tpu.memref_squeeze %dma_wait3A_405 : memref<1x128x64xf32, #tpu.memory_space<vmem>> -> memref<128x64xf32, #tpu.memory_space<vmem>>
      %dma_wait3A_407 = arith.constant 0 : i32
      %dma_wait3A_408 = tpu.memref_slice %arg5[%dma_wait3A_400, %dma_wait3A_407] : memref<50x128xi32, #tpu.memory_space<vmem>> -> memref<1x128xi32, #tpu.memory_space<vmem>>
      %dma_wait3A_409 = tpu.memref_squeeze %dma_wait3A_408 : memref<1x128xi32, #tpu.memory_space<vmem>> -> memref<128xi32, #tpu.memory_space<vmem>>
      %dma_wait3A_410 = arith.constant 0 : i32
      %dma_wait3A_411 = arith.constant 0 : i32
      %dma_wait3A_412 = tpu.memref_slice %arg3[%dma_wait3A_410, %dma_wait3A_411] : memref<1000000x64xf32, #tpu.memory_space<hbm>> -> memref<1000000x64xf32, #tpu.memory_space<hbm>>
      %dma_wait3A_413 = tpu.memref_slice %arg7[%dma_wait3A_402] : memref<5x!tpu.dma_semaphore, #tpu.memory_space<semaphore_mem>> -> memref<1x!tpu.dma_semaphore, #tpu.memory_space<semaphore_mem>>
      %dma_wait3A_414 = tpu.memref_squeeze %dma_wait3A_413 : memref<1x!tpu.dma_semaphore, #tpu.memory_space<semaphore_mem>> -> memref<!tpu.dma_semaphore, #tpu.memory_space<semaphore_mem>>
      tpu.wait_indirect_dma semaphore(%dma_wait3A_414 : memref<!tpu.dma_semaphore, #tpu.memory_space<semaphore_mem>>) src(%dma_wait3A_412 : memref<1000000x64xf32, #tpu.memory_space<hbm>>) dst(%dma_wait3A_406 : memref<128x64xf32, #tpu.memory_space<vmem>>)
      %mul3A_415 = arith.constant 128 : i32
      %mul3A_416 = arith.muli %add3A_399, %mul3A_415 : i32
      %add3A_417 = arith.addi %mul3A_2, %mul3A_416 : i32
      %dma_start3A_418 = arith.constant 1 : i32
      %dma_start3A_419 = arith.constant 1 : i32
      %dma_start3A_420 = arith.constant 0 : i32
      %dma_start3A_421 = arith.constant 0 : i32
      %dma_start3A_422 = tpu.memref_slice %arg6[%dma_start3A_418, %dma_start3A_420, %dma_start3A_421] : memref<5x128x64xf32, #tpu.memory_space<vmem>> -> memref<1x128x64xf32, #tpu.memory_space<vmem>>
      %dma_start3A_423 = tpu.memref_squeeze %dma_start3A_422 : memref<1x128x64xf32, #tpu.memory_space<vmem>> -> memref<128x64xf32, #tpu.memory_space<vmem>>
      %dma_start3A_424 = arith.constant 0 : i32
      %dma_start3A_425 = tpu.memref_slice %arg4[%add3A_417, %dma_start3A_424] : memref<204800x64xf32, #tpu.memory_space<hbm>> -> memref<128x64xf32, #tpu.memory_space<hbm>>
      %dma_start3A_426 = tpu.memref_slice %arg8[%dma_start3A_419] : memref<5x!tpu.dma_semaphore, #tpu.memory_space<semaphore_mem>> -> memref<1x!tpu.dma_semaphore, #tpu.memory_space<semaphore_mem>>
      %dma_start3A_427 = tpu.memref_squeeze %dma_start3A_426 : memref<1x!tpu.dma_semaphore, #tpu.memory_space<semaphore_mem>> -> memref<!tpu.dma_semaphore, #tpu.memory_space<semaphore_mem>>
      %dma_start3A_428 = arith.constant 0 : i32
      %dma_start3A_429 = tpu.memref_slice %arg4[%add3A_417, %dma_start3A_428] : memref<204800x64xf32, #tpu.memory_space<hbm>> -> memref<128x64xf32, #tpu.memory_space<hbm>>
      %dma_start3A_430 = arith.constant 0 : i32
      %dma_start3A_431 = arith.constant 0 : i32
      %dma_start3A_432 = tpu.memref_slice %arg6[%dma_start3A_418, %dma_start3A_430, %dma_start3A_431] : memref<5x128x64xf32, #tpu.memory_space<vmem>> -> memref<1x128x64xf32, #tpu.memory_space<vmem>>
      %dma_start3A_433 = tpu.memref_squeeze %dma_start3A_432 : memref<1x128x64xf32, #tpu.memory_space<vmem>> -> memref<128x64xf32, #tpu.memory_space<vmem>>
      tpu.enqueue_dma source(%dma_start3A_433 : memref<128x64xf32, #tpu.memory_space<vmem>>) target(%dma_start3A_429 : memref<128x64xf32, #tpu.memory_space<hbm>>) target_semaphore(%dma_start3A_427 : memref<!tpu.dma_semaphore, #tpu.memory_space<semaphore_mem>>)
      %dma_wait3A_434 = arith.constant 1 : i32
      %dma_wait3A_435 = arith.constant 1 : i32
      %dma_wait3A_436 = arith.constant 0 : i32
      %dma_wait3A_437 = arith.constant 0 : i32
      %dma_wait3A_438 = tpu.memref_slice %arg6[%dma_wait3A_434, %dma_wait3A_436, %dma_wait3A_437] : memref<5x128x64xf32, #tpu.memory_space<vmem>> -> memref<1x128x64xf32, #tpu.memory_space<vmem>>
      %dma_wait3A_439 = tpu.memref_squeeze %dma_wait3A_438 : memref<1x128x64xf32, #tpu.memory_space<vmem>> -> memref<128x64xf32, #tpu.memory_space<vmem>>
      %dma_wait3A_440 = arith.constant 0 : i32
      %dma_wait3A_441 = tpu.memref_slice %arg4[%mul3A_2, %dma_wait3A_440] : memref<204800x64xf32, #tpu.memory_space<hbm>> -> memref<128x64xf32, #tpu.memory_space<hbm>>
      %dma_wait3A_442 = tpu.memref_slice %arg8[%dma_wait3A_435] : memref<5x!tpu.dma_semaphore, #tpu.memory_space<semaphore_mem>> -> memref<1x!tpu.dma_semaphore, #tpu.memory_space<semaphore_mem>>
      %dma_wait3A_443 = tpu.memref_squeeze %dma_wait3A_442 : memref<1x!tpu.dma_semaphore, #tpu.memory_space<semaphore_mem>> -> memref<!tpu.dma_semaphore, #tpu.memory_space<semaphore_mem>>
      %dma_wait3A_444 = arith.constant 0 : i32
      %dma_wait3A_445 = tpu.memref_slice %arg4[%mul3A_2, %dma_wait3A_444] : memref<204800x64xf32, #tpu.memory_space<hbm>> -> memref<128x64xf32, #tpu.memory_space<hbm>>
      %dma_wait3A_446 = arith.constant 0 : i32
      %dma_wait3A_447 = arith.constant 0 : i32
      %dma_wait3A_448 = tpu.memref_slice %arg6[%dma_wait3A_434, %dma_wait3A_446, %dma_wait3A_447] : memref<5x128x64xf32, #tpu.memory_space<vmem>> -> memref<1x128x64xf32, #tpu.memory_space<vmem>>
      %dma_wait3A_449 = tpu.memref_squeeze %dma_wait3A_448 : memref<1x128x64xf32, #tpu.memory_space<vmem>> -> memref<128x64xf32, #tpu.memory_space<vmem>>
      tpu.wait_dma2 semaphore(%dma_wait3A_443 : memref<!tpu.dma_semaphore, #tpu.memory_space<semaphore_mem>>) src(%dma_wait3A_449 : memref<128x64xf32, #tpu.memory_space<vmem>>) dst(%dma_wait3A_445 : memref<128x64xf32, #tpu.memory_space<hbm>>)
      %add3A_450 = arith.constant 5 : i32
      %add3A_451 = arith.addi %add3A_399, %add3A_450 : i32
      %dma_start3A_452 = arith.constant 1 : i32
      %dma_start3A_453 = arith.constant 1 : i32
      %dma_start3A_454 = arith.constant 0 : i32
      %dma_start3A_455 = arith.constant 0 : i32
      %dma_start3A_456 = tpu.memref_slice %arg6[%dma_start3A_452, %dma_start3A_454, %dma_start3A_455] : memref<5x128x64xf32, #tpu.memory_space<vmem>> -> memref<1x128x64xf32, #tpu.memory_space<vmem>>
      %dma_start3A_457 = tpu.memref_squeeze %dma_start3A_456 : memref<1x128x64xf32, #tpu.memory_space<vmem>> -> memref<128x64xf32, #tpu.memory_space<vmem>>
      %dma_start3A_458 = arith.constant 0 : i32
      %dma_start3A_459 = tpu.memref_slice %arg5[%add3A_451, %dma_start3A_458] : memref<50x128xi32, #tpu.memory_space<vmem>> -> memref<1x128xi32, #tpu.memory_space<vmem>>
      %dma_start3A_460 = tpu.memref_squeeze %dma_start3A_459 : memref<1x128xi32, #tpu.memory_space<vmem>> -> memref<128xi32, #tpu.memory_space<vmem>>
      %dma_start3A_461 = arith.constant 0 : i32
      %dma_start3A_462 = arith.constant 0 : i32
      %dma_start3A_463 = tpu.memref_slice %arg3[%dma_start3A_461, %dma_start3A_462] : memref<1000000x64xf32, #tpu.memory_space<hbm>> -> memref<1000000x64xf32, #tpu.memory_space<hbm>>
      %dma_start3A_464 = tpu.memref_slice %arg7[%dma_start3A_453] : memref<5x!tpu.dma_semaphore, #tpu.memory_space<semaphore_mem>> -> memref<1x!tpu.dma_semaphore, #tpu.memory_space<semaphore_mem>>
      %dma_start3A_465 = tpu.memref_squeeze %dma_start3A_464 : memref<1x!tpu.dma_semaphore, #tpu.memory_space<semaphore_mem>> -> memref<!tpu.dma_semaphore, #tpu.memory_space<semaphore_mem>>
      tpu.enqueue_indirect_dma source(%dma_start3A_463 : memref<1000000x64xf32, #tpu.memory_space<hbm>>) target(%dma_start3A_457 : memref<128x64xf32, #tpu.memory_space<vmem>>) offsets(%dma_start3A_460 : memref<128xi32, #tpu.memory_space<vmem>>) semaphore(%dma_start3A_465 : memref<!tpu.dma_semaphore, #tpu.memory_space<semaphore_mem>>)
      %add3A_466 = arith.constant 2 : i32
      %add3A_467 = arith.addi %add3A_329, %add3A_466 : i32
      %dma_wait3A_468 = arith.constant 0 : i32
      %dma_wait3A_469 = arith.constant 2 : i32
      %dma_wait3A_470 = arith.constant 2 : i32
      %dma_wait3A_471 = arith.constant 0 : i32
      %dma_wait3A_472 = arith.constant 0 : i32
      %dma_wait3A_473 = tpu.memref_slice %arg6[%dma_wait3A_469, %dma_wait3A_471, %dma_wait3A_472] : memref<5x128x64xf32, #tpu.memory_space<vmem>> -> memref<1x128x64xf32, #tpu.memory_space<vmem>>
      %dma_wait3A_474 = tpu.memref_squeeze %dma_wait3A_473 : memref<1x128x64xf32, #tpu.memory_space<vmem>> -> memref<128x64xf32, #tpu.memory_space<vmem>>
      %dma_wait3A_475 = arith.constant 0 : i32
      %dma_wait3A_476 = tpu.memref_slice %arg5[%dma_wait3A_468, %dma_wait3A_475] : memref<50x128xi32, #tpu.memory_space<vmem>> -> memref<1x128xi32, #tpu.memory_space<vmem>>
      %dma_wait3A_477 = tpu.memref_squeeze %dma_wait3A_476 : memref<1x128xi32, #tpu.memory_space<vmem>> -> memref<128xi32, #tpu.memory_space<vmem>>
      %dma_wait3A_478 = arith.constant 0 : i32
      %dma_wait3A_479 = arith.constant 0 : i32
      %dma_wait3A_480 = tpu.memref_slice %arg3[%dma_wait3A_478, %dma_wait3A_479] : memref<1000000x64xf32, #tpu.memory_space<hbm>> -> memref<1000000x64xf32, #tpu.memory_space<hbm>>
      %dma_wait3A_481 = tpu.memref_slice %arg7[%dma_wait3A_470] : memref<5x!tpu.dma_semaphore, #tpu.memory_space<semaphore_mem>> -> memref<1x!tpu.dma_semaphore, #tpu.memory_space<semaphore_mem>>
      %dma_wait3A_482 = tpu.memref_squeeze %dma_wait3A_481 : memref<1x!tpu.dma_semaphore, #tpu.memory_space<semaphore_mem>> -> memref<!tpu.dma_semaphore, #tpu.memory_space<semaphore_mem>>
      tpu.wait_indirect_dma semaphore(%dma_wait3A_482 : memref<!tpu.dma_semaphore, #tpu.memory_space<semaphore_mem>>) src(%dma_wait3A_480 : memref<1000000x64xf32, #tpu.memory_space<hbm>>) dst(%dma_wait3A_474 : memref<128x64xf32, #tpu.memory_space<vmem>>)
      %mul3A_483 = arith.constant 128 : i32
      %mul3A_484 = arith.muli %add3A_467, %mul3A_483 : i32
      %add3A_485 = arith.addi %mul3A_2, %mul3A_484 : i32
      %dma_start3A_486 = arith.constant 2 : i32
      %dma_start3A_487 = arith.constant 2 : i32
      %dma_start3A_488 = arith.constant 0 : i32
      %dma_start3A_489 = arith.constant 0 : i32
      %dma_start3A_490 = tpu.memref_slice %arg6[%dma_start3A_486, %dma_start3A_488, %dma_start3A_489] : memref<5x128x64xf32, #tpu.memory_space<vmem>> -> memref<1x128x64xf32, #tpu.memory_space<vmem>>
      %dma_start3A_491 = tpu.memref_squeeze %dma_start3A_490 : memref<1x128x64xf32, #tpu.memory_space<vmem>> -> memref<128x64xf32, #tpu.memory_space<vmem>>
      %dma_start3A_492 = arith.constant 0 : i32
      %dma_start3A_493 = tpu.memref_slice %arg4[%add3A_485, %dma_start3A_492] : memref<204800x64xf32, #tpu.memory_space<hbm>> -> memref<128x64xf32, #tpu.memory_space<hbm>>
      %dma_start3A_494 = tpu.memref_slice %arg8[%dma_start3A_487] : memref<5x!tpu.dma_semaphore, #tpu.memory_space<semaphore_mem>> -> memref<1x!tpu.dma_semaphore, #tpu.memory_space<semaphore_mem>>
      %dma_start3A_495 = tpu.memref_squeeze %dma_start3A_494 : memref<1x!tpu.dma_semaphore, #tpu.memory_space<semaphore_mem>> -> memref<!tpu.dma_semaphore, #tpu.memory_space<semaphore_mem>>
      %dma_start3A_496 = arith.constant 0 : i32
      %dma_start3A_497 = tpu.memref_slice %arg4[%add3A_485, %dma_start3A_496] : memref<204800x64xf32, #tpu.memory_space<hbm>> -> memref<128x64xf32, #tpu.memory_space<hbm>>
      %dma_start3A_498 = arith.constant 0 : i32
      %dma_start3A_499 = arith.constant 0 : i32
      %dma_start3A_500 = tpu.memref_slice %arg6[%dma_start3A_486, %dma_start3A_498, %dma_start3A_499] : memref<5x128x64xf32, #tpu.memory_space<vmem>> -> memref<1x128x64xf32, #tpu.memory_space<vmem>>
      %dma_start3A_501 = tpu.memref_squeeze %dma_start3A_500 : memref<1x128x64xf32, #tpu.memory_space<vmem>> -> memref<128x64xf32, #tpu.memory_space<vmem>>
      tpu.enqueue_dma source(%dma_start3A_501 : memref<128x64xf32, #tpu.memory_space<vmem>>) target(%dma_start3A_497 : memref<128x64xf32, #tpu.memory_space<hbm>>) target_semaphore(%dma_start3A_495 : memref<!tpu.dma_semaphore, #tpu.memory_space<semaphore_mem>>)
      %dma_wait3A_502 = arith.constant 2 : i32
      %dma_wait3A_503 = arith.constant 2 : i32
      %dma_wait3A_504 = arith.constant 0 : i32
      %dma_wait3A_505 = arith.constant 0 : i32
      %dma_wait3A_506 = tpu.memref_slice %arg6[%dma_wait3A_502, %dma_wait3A_504, %dma_wait3A_505] : memref<5x128x64xf32, #tpu.memory_space<vmem>> -> memref<1x128x64xf32, #tpu.memory_space<vmem>>
      %dma_wait3A_507 = tpu.memref_squeeze %dma_wait3A_506 : memref<1x128x64xf32, #tpu.memory_space<vmem>> -> memref<128x64xf32, #tpu.memory_space<vmem>>
      %dma_wait3A_508 = arith.constant 0 : i32
      %dma_wait3A_509 = tpu.memref_slice %arg4[%mul3A_2, %dma_wait3A_508] : memref<204800x64xf32, #tpu.memory_space<hbm>> -> memref<128x64xf32, #tpu.memory_space<hbm>>
      %dma_wait3A_510 = tpu.memref_slice %arg8[%dma_wait3A_503] : memref<5x!tpu.dma_semaphore, #tpu.memory_space<semaphore_mem>> -> memref<1x!tpu.dma_semaphore, #tpu.memory_space<semaphore_mem>>
      %dma_wait3A_511 = tpu.memref_squeeze %dma_wait3A_510 : memref<1x!tpu.dma_semaphore, #tpu.memory_space<semaphore_mem>> -> memref<!tpu.dma_semaphore, #tpu.memory_space<semaphore_mem>>
      %dma_wait3A_512 = arith.constant 0 : i32
      %dma_wait3A_513 = tpu.memref_slice %arg4[%mul3A_2, %dma_wait3A_512] : memref<204800x64xf32, #tpu.memory_space<hbm>> -> memref<128x64xf32, #tpu.memory_space<hbm>>
      %dma_wait3A_514 = arith.constant 0 : i32
      %dma_wait3A_515 = arith.constant 0 : i32
      %dma_wait3A_516 = tpu.memref_slice %arg6[%dma_wait3A_502, %dma_wait3A_514, %dma_wait3A_515] : memref<5x128x64xf32, #tpu.memory_space<vmem>> -> memref<1x128x64xf32, #tpu.memory_space<vmem>>
      %dma_wait3A_517 = tpu.memref_squeeze %dma_wait3A_516 : memref<1x128x64xf32, #tpu.memory_space<vmem>> -> memref<128x64xf32, #tpu.memory_space<vmem>>
      tpu.wait_dma2 semaphore(%dma_wait3A_511 : memref<!tpu.dma_semaphore, #tpu.memory_space<semaphore_mem>>) src(%dma_wait3A_517 : memref<128x64xf32, #tpu.memory_space<vmem>>) dst(%dma_wait3A_513 : memref<128x64xf32, #tpu.memory_space<hbm>>)
      %add3A_518 = arith.constant 5 : i32
      %add3A_519 = arith.addi %add3A_467, %add3A_518 : i32
      %dma_start3A_520 = arith.constant 2 : i32
      %dma_start3A_521 = arith.constant 2 : i32
      %dma_start3A_522 = arith.constant 0 : i32
      %dma_start3A_523 = arith.constant 0 : i32
      %dma_start3A_524 = tpu.memref_slice %arg6[%dma_start3A_520, %dma_start3A_522, %dma_start3A_523] : memref<5x128x64xf32, #tpu.memory_space<vmem>> -> memref<1x128x64xf32, #tpu.memory_space<vmem>>
      %dma_start3A_525 = tpu.memref_squeeze %dma_start3A_524 : memref<1x128x64xf32, #tpu.memory_space<vmem>> -> memref<128x64xf32, #tpu.memory_space<vmem>>
      %dma_start3A_526 = arith.constant 0 : i32
      %dma_start3A_527 = tpu.memref_slice %arg5[%add3A_519, %dma_start3A_526] : memref<50x128xi32, #tpu.memory_space<vmem>> -> memref<1x128xi32, #tpu.memory_space<vmem>>
      %dma_start3A_528 = tpu.memref_squeeze %dma_start3A_527 : memref<1x128xi32, #tpu.memory_space<vmem>> -> memref<128xi32, #tpu.memory_space<vmem>>
      %dma_start3A_529 = arith.constant 0 : i32
      %dma_start3A_530 = arith.constant 0 : i32
      %dma_start3A_531 = tpu.memref_slice %arg3[%dma_start3A_529, %dma_start3A_530] : memref<1000000x64xf32, #tpu.memory_space<hbm>> -> memref<1000000x64xf32, #tpu.memory_space<hbm>>
      %dma_start3A_532 = tpu.memref_slice %arg7[%dma_start3A_521] : memref<5x!tpu.dma_semaphore, #tpu.memory_space<semaphore_mem>> -> memref<1x!tpu.dma_semaphore, #tpu.memory_space<semaphore_mem>>
      %dma_start3A_533 = tpu.memref_squeeze %dma_start3A_532 : memref<1x!tpu.dma_semaphore, #tpu.memory_space<semaphore_mem>> -> memref<!tpu.dma_semaphore, #tpu.memory_space<semaphore_mem>>
      tpu.enqueue_indirect_dma source(%dma_start3A_531 : memref<1000000x64xf32, #tpu.memory_space<hbm>>) target(%dma_start3A_525 : memref<128x64xf32, #tpu.memory_space<vmem>>) offsets(%dma_start3A_528 : memref<128xi32, #tpu.memory_space<vmem>>) semaphore(%dma_start3A_533 : memref<!tpu.dma_semaphore, #tpu.memory_space<semaphore_mem>>)
      %add3A_534 = arith.constant 3 : i32
      %add3A_535 = arith.addi %add3A_329, %add3A_534 : i32
      %dma_wait3A_536 = arith.constant 0 : i32
      %dma_wait3A_537 = arith.constant 3 : i32
      %dma_wait3A_538 = arith.constant 3 : i32
      %dma_wait3A_539 = arith.constant 0 : i32
      %dma_wait3A_540 = arith.constant 0 : i32
      %dma_wait3A_541 = tpu.memref_slice %arg6[%dma_wait3A_537, %dma_wait3A_539, %dma_wait3A_540] : memref<5x128x64xf32, #tpu.memory_space<vmem>> -> memref<1x128x64xf32, #tpu.memory_space<vmem>>
      %dma_wait3A_542 = tpu.memref_squeeze %dma_wait3A_541 : memref<1x128x64xf32, #tpu.memory_space<vmem>> -> memref<128x64xf32, #tpu.memory_space<vmem>>
      %dma_wait3A_543 = arith.constant 0 : i32
      %dma_wait3A_544 = tpu.memref_slice %arg5[%dma_wait3A_536, %dma_wait3A_543] : memref<50x128xi32, #tpu.memory_space<vmem>> -> memref<1x128xi32, #tpu.memory_space<vmem>>
      %dma_wait3A_545 = tpu.memref_squeeze %dma_wait3A_544 : memref<1x128xi32, #tpu.memory_space<vmem>> -> memref<128xi32, #tpu.memory_space<vmem>>
      %dma_wait3A_546 = arith.constant 0 : i32
      %dma_wait3A_547 = arith.constant 0 : i32
      %dma_wait3A_548 = tpu.memref_slice %arg3[%dma_wait3A_546, %dma_wait3A_547] : memref<1000000x64xf32, #tpu.memory_space<hbm>> -> memref<1000000x64xf32, #tpu.memory_space<hbm>>
      %dma_wait3A_549 = tpu.memref_slice %arg7[%dma_wait3A_538] : memref<5x!tpu.dma_semaphore, #tpu.memory_space<semaphore_mem>> -> memref<1x!tpu.dma_semaphore, #tpu.memory_space<semaphore_mem>>
      %dma_wait3A_550 = tpu.memref_squeeze %dma_wait3A_549 : memref<1x!tpu.dma_semaphore, #tpu.memory_space<semaphore_mem>> -> memref<!tpu.dma_semaphore, #tpu.memory_space<semaphore_mem>>
      tpu.wait_indirect_dma semaphore(%dma_wait3A_550 : memref<!tpu.dma_semaphore, #tpu.memory_space<semaphore_mem>>) src(%dma_wait3A_548 : memref<1000000x64xf32, #tpu.memory_space<hbm>>) dst(%dma_wait3A_542 : memref<128x64xf32, #tpu.memory_space<vmem>>)
      %mul3A_551 = arith.constant 128 : i32
      %mul3A_552 = arith.muli %add3A_535, %mul3A_551 : i32
      %add3A_553 = arith.addi %mul3A_2, %mul3A_552 : i32
      %dma_start3A_554 = arith.constant 3 : i32
      %dma_start3A_555 = arith.constant 3 : i32
      %dma_start3A_556 = arith.constant 0 : i32
      %dma_start3A_557 = arith.constant 0 : i32
      %dma_start3A_558 = tpu.memref_slice %arg6[%dma_start3A_554, %dma_start3A_556, %dma_start3A_557] : memref<5x128x64xf32, #tpu.memory_space<vmem>> -> memref<1x128x64xf32, #tpu.memory_space<vmem>>
      %dma_start3A_559 = tpu.memref_squeeze %dma_start3A_558 : memref<1x128x64xf32, #tpu.memory_space<vmem>> -> memref<128x64xf32, #tpu.memory_space<vmem>>
      %dma_start3A_560 = arith.constant 0 : i32
      %dma_start3A_561 = tpu.memref_slice %arg4[%add3A_553, %dma_start3A_560] : memref<204800x64xf32, #tpu.memory_space<hbm>> -> memref<128x64xf32, #tpu.memory_space<hbm>>
      %dma_start3A_562 = tpu.memref_slice %arg8[%dma_start3A_555] : memref<5x!tpu.dma_semaphore, #tpu.memory_space<semaphore_mem>> -> memref<1x!tpu.dma_semaphore, #tpu.memory_space<semaphore_mem>>
      %dma_start3A_563 = tpu.memref_squeeze %dma_start3A_562 : memref<1x!tpu.dma_semaphore, #tpu.memory_space<semaphore_mem>> -> memref<!tpu.dma_semaphore, #tpu.memory_space<semaphore_mem>>
      %dma_start3A_564 = arith.constant 0 : i32
      %dma_start3A_565 = tpu.memref_slice %arg4[%add3A_553, %dma_start3A_564] : memref<204800x64xf32, #tpu.memory_space<hbm>> -> memref<128x64xf32, #tpu.memory_space<hbm>>
      %dma_start3A_566 = arith.constant 0 : i32
      %dma_start3A_567 = arith.constant 0 : i32
      %dma_start3A_568 = tpu.memref_slice %arg6[%dma_start3A_554, %dma_start3A_566, %dma_start3A_567] : memref<5x128x64xf32, #tpu.memory_space<vmem>> -> memref<1x128x64xf32, #tpu.memory_space<vmem>>
      %dma_start3A_569 = tpu.memref_squeeze %dma_start3A_568 : memref<1x128x64xf32, #tpu.memory_space<vmem>> -> memref<128x64xf32, #tpu.memory_space<vmem>>
      tpu.enqueue_dma source(%dma_start3A_569 : memref<128x64xf32, #tpu.memory_space<vmem>>) target(%dma_start3A_565 : memref<128x64xf32, #tpu.memory_space<hbm>>) target_semaphore(%dma_start3A_563 : memref<!tpu.dma_semaphore, #tpu.memory_space<semaphore_mem>>)
      %dma_wait3A_570 = arith.constant 3 : i32
      %dma_wait3A_571 = arith.constant 3 : i32
      %dma_wait3A_572 = arith.constant 0 : i32
      %dma_wait3A_573 = arith.constant 0 : i32
      %dma_wait3A_574 = tpu.memref_slice %arg6[%dma_wait3A_570, %dma_wait3A_572, %dma_wait3A_573] : memref<5x128x64xf32, #tpu.memory_space<vmem>> -> memref<1x128x64xf32, #tpu.memory_space<vmem>>
      %dma_wait3A_575 = tpu.memref_squeeze %dma_wait3A_574 : memref<1x128x64xf32, #tpu.memory_space<vmem>> -> memref<128x64xf32, #tpu.memory_space<vmem>>
      %dma_wait3A_576 = arith.constant 0 : i32
      %dma_wait3A_577 = tpu.memref_slice %arg4[%mul3A_2, %dma_wait3A_576] : memref<204800x64xf32, #tpu.memory_space<hbm>> -> memref<128x64xf32, #tpu.memory_space<hbm>>
      %dma_wait3A_578 = tpu.memref_slice %arg8[%dma_wait3A_571] : memref<5x!tpu.dma_semaphore, #tpu.memory_space<semaphore_mem>> -> memref<1x!tpu.dma_semaphore, #tpu.memory_space<semaphore_mem>>
      %dma_wait3A_579 = tpu.memref_squeeze %dma_wait3A_578 : memref<1x!tpu.dma_semaphore, #tpu.memory_space<semaphore_mem>> -> memref<!tpu.dma_semaphore, #tpu.memory_space<semaphore_mem>>
      %dma_wait3A_580 = arith.constant 0 : i32
      %dma_wait3A_581 = tpu.memref_slice %arg4[%mul3A_2, %dma_wait3A_580] : memref<204800x64xf32, #tpu.memory_space<hbm>> -> memref<128x64xf32, #tpu.memory_space<hbm>>
      %dma_wait3A_582 = arith.constant 0 : i32
      %dma_wait3A_583 = arith.constant 0 : i32
      %dma_wait3A_584 = tpu.memref_slice %arg6[%dma_wait3A_570, %dma_wait3A_582, %dma_wait3A_583] : memref<5x128x64xf32, #tpu.memory_space<vmem>> -> memref<1x128x64xf32, #tpu.memory_space<vmem>>
      %dma_wait3A_585 = tpu.memref_squeeze %dma_wait3A_584 : memref<1x128x64xf32, #tpu.memory_space<vmem>> -> memref<128x64xf32, #tpu.memory_space<vmem>>
      tpu.wait_dma2 semaphore(%dma_wait3A_579 : memref<!tpu.dma_semaphore, #tpu.memory_space<semaphore_mem>>) src(%dma_wait3A_585 : memref<128x64xf32, #tpu.memory_space<vmem>>) dst(%dma_wait3A_581 : memref<128x64xf32, #tpu.memory_space<hbm>>)
      %add3A_586 = arith.constant 5 : i32
      %add3A_587 = arith.addi %add3A_535, %add3A_586 : i32
      %dma_start3A_588 = arith.constant 3 : i32
      %dma_start3A_589 = arith.constant 3 : i32
      %dma_start3A_590 = arith.constant 0 : i32
      %dma_start3A_591 = arith.constant 0 : i32
      %dma_start3A_592 = tpu.memref_slice %arg6[%dma_start3A_588, %dma_start3A_590, %dma_start3A_591] : memref<5x128x64xf32, #tpu.memory_space<vmem>> -> memref<1x128x64xf32, #tpu.memory_space<vmem>>
      %dma_start3A_593 = tpu.memref_squeeze %dma_start3A_592 : memref<1x128x64xf32, #tpu.memory_space<vmem>> -> memref<128x64xf32, #tpu.memory_space<vmem>>
      %dma_start3A_594 = arith.constant 0 : i32
      %dma_start3A_595 = tpu.memref_slice %arg5[%add3A_587, %dma_start3A_594] : memref<50x128xi32, #tpu.memory_space<vmem>> -> memref<1x128xi32, #tpu.memory_space<vmem>>
      %dma_start3A_596 = tpu.memref_squeeze %dma_start3A_595 : memref<1x128xi32, #tpu.memory_space<vmem>> -> memref<128xi32, #tpu.memory_space<vmem>>
      %dma_start3A_597 = arith.constant 0 : i32
      %dma_start3A_598 = arith.constant 0 : i32
      %dma_start3A_599 = tpu.memref_slice %arg3[%dma_start3A_597, %dma_start3A_598] : memref<1000000x64xf32, #tpu.memory_space<hbm>> -> memref<1000000x64xf32, #tpu.memory_space<hbm>>
      %dma_start3A_600 = tpu.memref_slice %arg7[%dma_start3A_589] : memref<5x!tpu.dma_semaphore, #tpu.memory_space<semaphore_mem>> -> memref<1x!tpu.dma_semaphore, #tpu.memory_space<semaphore_mem>>
      %dma_start3A_601 = tpu.memref_squeeze %dma_start3A_600 : memref<1x!tpu.dma_semaphore, #tpu.memory_space<semaphore_mem>> -> memref<!tpu.dma_semaphore, #tpu.memory_space<semaphore_mem>>
      tpu.enqueue_indirect_dma source(%dma_start3A_599 : memref<1000000x64xf32, #tpu.memory_space<hbm>>) target(%dma_start3A_593 : memref<128x64xf32, #tpu.memory_space<vmem>>) offsets(%dma_start3A_596 : memref<128xi32, #tpu.memory_space<vmem>>) semaphore(%dma_start3A_601 : memref<!tpu.dma_semaphore, #tpu.memory_space<semaphore_mem>>)
      %add3A_602 = arith.constant 4 : i32
      %add3A_603 = arith.addi %add3A_329, %add3A_602 : i32
      %dma_wait3A_604 = arith.constant 0 : i32
      %dma_wait3A_605 = arith.constant 4 : i32
      %dma_wait3A_606 = arith.constant 4 : i32
      %dma_wait3A_607 = arith.constant 0 : i32
      %dma_wait3A_608 = arith.constant 0 : i32
      %dma_wait3A_609 = tpu.memref_slice %arg6[%dma_wait3A_605, %dma_wait3A_607, %dma_wait3A_608] : memref<5x128x64xf32, #tpu.memory_space<vmem>> -> memref<1x128x64xf32, #tpu.memory_space<vmem>>
      %dma_wait3A_610 = tpu.memref_squeeze %dma_wait3A_609 : memref<1x128x64xf32, #tpu.memory_space<vmem>> -> memref<128x64xf32, #tpu.memory_space<vmem>>
      %dma_wait3A_611 = arith.constant 0 : i32
      %dma_wait3A_612 = tpu.memref_slice %arg5[%dma_wait3A_604, %dma_wait3A_611] : memref<50x128xi32, #tpu.memory_space<vmem>> -> memref<1x128xi32, #tpu.memory_space<vmem>>
      %dma_wait3A_613 = tpu.memref_squeeze %dma_wait3A_612 : memref<1x128xi32, #tpu.memory_space<vmem>> -> memref<128xi32, #tpu.memory_space<vmem>>
      %dma_wait3A_614 = arith.constant 0 : i32
      %dma_wait3A_615 = arith.constant 0 : i32
      %dma_wait3A_616 = tpu.memref_slice %arg3[%dma_wait3A_614, %dma_wait3A_615] : memref<1000000x64xf32, #tpu.memory_space<hbm>> -> memref<1000000x64xf32, #tpu.memory_space<hbm>>
      %dma_wait3A_617 = tpu.memref_slice %arg7[%dma_wait3A_606] : memref<5x!tpu.dma_semaphore, #tpu.memory_space<semaphore_mem>> -> memref<1x!tpu.dma_semaphore, #tpu.memory_space<semaphore_mem>>
      %dma_wait3A_618 = tpu.memref_squeeze %dma_wait3A_617 : memref<1x!tpu.dma_semaphore, #tpu.memory_space<semaphore_mem>> -> memref<!tpu.dma_semaphore, #tpu.memory_space<semaphore_mem>>
      tpu.wait_indirect_dma semaphore(%dma_wait3A_618 : memref<!tpu.dma_semaphore, #tpu.memory_space<semaphore_mem>>) src(%dma_wait3A_616 : memref<1000000x64xf32, #tpu.memory_space<hbm>>) dst(%dma_wait3A_610 : memref<128x64xf32, #tpu.memory_space<vmem>>)
      %mul3A_619 = arith.constant 128 : i32
      %mul3A_620 = arith.muli %add3A_603, %mul3A_619 : i32
      %add3A_621 = arith.addi %mul3A_2, %mul3A_620 : i32
      %dma_start3A_622 = arith.constant 4 : i32
      %dma_start3A_623 = arith.constant 4 : i32
      %dma_start3A_624 = arith.constant 0 : i32
      %dma_start3A_625 = arith.constant 0 : i32
      %dma_start3A_626 = tpu.memref_slice %arg6[%dma_start3A_622, %dma_start3A_624, %dma_start3A_625] : memref<5x128x64xf32, #tpu.memory_space<vmem>> -> memref<1x128x64xf32, #tpu.memory_space<vmem>>
      %dma_start3A_627 = tpu.memref_squeeze %dma_start3A_626 : memref<1x128x64xf32, #tpu.memory_space<vmem>> -> memref<128x64xf32, #tpu.memory_space<vmem>>
      %dma_start3A_628 = arith.constant 0 : i32
      %dma_start3A_629 = tpu.memref_slice %arg4[%add3A_621, %dma_start3A_628] : memref<204800x64xf32, #tpu.memory_space<hbm>> -> memref<128x64xf32, #tpu.memory_space<hbm>>
      %dma_start3A_630 = tpu.memref_slice %arg8[%dma_start3A_623] : memref<5x!tpu.dma_semaphore, #tpu.memory_space<semaphore_mem>> -> memref<1x!tpu.dma_semaphore, #tpu.memory_space<semaphore_mem>>
      %dma_start3A_631 = tpu.memref_squeeze %dma_start3A_630 : memref<1x!tpu.dma_semaphore, #tpu.memory_space<semaphore_mem>> -> memref<!tpu.dma_semaphore, #tpu.memory_space<semaphore_mem>>
      %dma_start3A_632 = arith.constant 0 : i32
      %dma_start3A_633 = tpu.memref_slice %arg4[%add3A_621, %dma_start3A_632] : memref<204800x64xf32, #tpu.memory_space<hbm>> -> memref<128x64xf32, #tpu.memory_space<hbm>>
      %dma_start3A_634 = arith.constant 0 : i32
      %dma_start3A_635 = arith.constant 0 : i32
      %dma_start3A_636 = tpu.memref_slice %arg6[%dma_start3A_622, %dma_start3A_634, %dma_start3A_635] : memref<5x128x64xf32, #tpu.memory_space<vmem>> -> memref<1x128x64xf32, #tpu.memory_space<vmem>>
      %dma_start3A_637 = tpu.memref_squeeze %dma_start3A_636 : memref<1x128x64xf32, #tpu.memory_space<vmem>> -> memref<128x64xf32, #tpu.memory_space<vmem>>
      tpu.enqueue_dma source(%dma_start3A_637 : memref<128x64xf32, #tpu.memory_space<vmem>>) target(%dma_start3A_633 : memref<128x64xf32, #tpu.memory_space<hbm>>) target_semaphore(%dma_start3A_631 : memref<!tpu.dma_semaphore, #tpu.memory_space<semaphore_mem>>)
      %dma_wait3A_638 = arith.constant 4 : i32
      %dma_wait3A_639 = arith.constant 4 : i32
      %dma_wait3A_640 = arith.constant 0 : i32
      %dma_wait3A_641 = arith.constant 0 : i32
      %dma_wait3A_642 = tpu.memref_slice %arg6[%dma_wait3A_638, %dma_wait3A_640, %dma_wait3A_641] : memref<5x128x64xf32, #tpu.memory_space<vmem>> -> memref<1x128x64xf32, #tpu.memory_space<vmem>>
      %dma_wait3A_643 = tpu.memref_squeeze %dma_wait3A_642 : memref<1x128x64xf32, #tpu.memory_space<vmem>> -> memref<128x64xf32, #tpu.memory_space<vmem>>
      %dma_wait3A_644 = arith.constant 0 : i32
      %dma_wait3A_645 = tpu.memref_slice %arg4[%mul3A_2, %dma_wait3A_644] : memref<204800x64xf32, #tpu.memory_space<hbm>> -> memref<128x64xf32, #tpu.memory_space<hbm>>
      %dma_wait3A_646 = tpu.memref_slice %arg8[%dma_wait3A_639] : memref<5x!tpu.dma_semaphore, #tpu.memory_space<semaphore_mem>> -> memref<1x!tpu.dma_semaphore, #tpu.memory_space<semaphore_mem>>
      %dma_wait3A_647 = tpu.memref_squeeze %dma_wait3A_646 : memref<1x!tpu.dma_semaphore, #tpu.memory_space<semaphore_mem>> -> memref<!tpu.dma_semaphore, #tpu.memory_space<semaphore_mem>>
      %dma_wait3A_648 = arith.constant 0 : i32
      %dma_wait3A_649 = tpu.memref_slice %arg4[%mul3A_2, %dma_wait3A_648] : memref<204800x64xf32, #tpu.memory_space<hbm>> -> memref<128x64xf32, #tpu.memory_space<hbm>>
      %dma_wait3A_650 = arith.constant 0 : i32
      %dma_wait3A_651 = arith.constant 0 : i32
      %dma_wait3A_652 = tpu.memref_slice %arg6[%dma_wait3A_638, %dma_wait3A_650, %dma_wait3A_651] : memref<5x128x64xf32, #tpu.memory_space<vmem>> -> memref<1x128x64xf32, #tpu.memory_space<vmem>>
      %dma_wait3A_653 = tpu.memref_squeeze %dma_wait3A_652 : memref<1x128x64xf32, #tpu.memory_space<vmem>> -> memref<128x64xf32, #tpu.memory_space<vmem>>
      tpu.wait_dma2 semaphore(%dma_wait3A_647 : memref<!tpu.dma_semaphore, #tpu.memory_space<semaphore_mem>>) src(%dma_wait3A_653 : memref<128x64xf32, #tpu.memory_space<vmem>>) dst(%dma_wait3A_649 : memref<128x64xf32, #tpu.memory_space<hbm>>)
      %add3A_654 = arith.constant 5 : i32
      %add3A_655 = arith.addi %add3A_603, %add3A_654 : i32
      %dma_start3A_656 = arith.constant 4 : i32
      %dma_start3A_657 = arith.constant 4 : i32
      %dma_start3A_658 = arith.constant 0 : i32
      %dma_start3A_659 = arith.constant 0 : i32
      %dma_start3A_660 = tpu.memref_slice %arg6[%dma_start3A_656, %dma_start3A_658, %dma_start3A_659] : memref<5x128x64xf32, #tpu.memory_space<vmem>> -> memref<1x128x64xf32, #tpu.memory_space<vmem>>
      %dma_start3A_661 = tpu.memref_squeeze %dma_start3A_660 : memref<1x128x64xf32, #tpu.memory_space<vmem>> -> memref<128x64xf32, #tpu.memory_space<vmem>>
      %dma_start3A_662 = arith.constant 0 : i32
      %dma_start3A_663 = tpu.memref_slice %arg5[%add3A_655, %dma_start3A_662] : memref<50x128xi32, #tpu.memory_space<vmem>> -> memref<1x128xi32, #tpu.memory_space<vmem>>
      %dma_start3A_664 = tpu.memref_squeeze %dma_start3A_663 : memref<1x128xi32, #tpu.memory_space<vmem>> -> memref<128xi32, #tpu.memory_space<vmem>>
      %dma_start3A_665 = arith.constant 0 : i32
      %dma_start3A_666 = arith.constant 0 : i32
      %dma_start3A_667 = tpu.memref_slice %arg3[%dma_start3A_665, %dma_start3A_666] : memref<1000000x64xf32, #tpu.memory_space<hbm>> -> memref<1000000x64xf32, #tpu.memory_space<hbm>>
      %dma_start3A_668 = tpu.memref_slice %arg7[%dma_start3A_657] : memref<5x!tpu.dma_semaphore, #tpu.memory_space<semaphore_mem>> -> memref<1x!tpu.dma_semaphore, #tpu.memory_space<semaphore_mem>>
      %dma_start3A_669 = tpu.memref_squeeze %dma_start3A_668 : memref<1x!tpu.dma_semaphore, #tpu.memory_space<semaphore_mem>> -> memref<!tpu.dma_semaphore, #tpu.memory_space<semaphore_mem>>
      tpu.enqueue_indirect_dma source(%dma_start3A_667 : memref<1000000x64xf32, #tpu.memory_space<hbm>>) target(%dma_start3A_661 : memref<128x64xf32, #tpu.memory_space<vmem>>) offsets(%dma_start3A_664 : memref<128xi32, #tpu.memory_space<vmem>>) semaphore(%dma_start3A_669 : memref<!tpu.dma_semaphore, #tpu.memory_space<semaphore_mem>>)
    }
    %scan3A_80 = arith.constant 9 : i32
    %dma_wait3A = arith.constant 0 : i32
    %dma_wait3A_81 = arith.constant 0 : i32
    %dma_wait3A_82 = arith.constant 0 : i32
    %dma_wait3A_83 = arith.constant 0 : i32
    %dma_wait3A_84 = arith.constant 0 : i32
    %dma_wait3A_85 = tpu.memref_slice %arg6[%dma_wait3A_81, %dma_wait3A_83, %dma_wait3A_84] : memref<5x128x64xf32, #tpu.memory_space<vmem>> -> memref<1x128x64xf32, #tpu.memory_space<vmem>>
    %dma_wait3A_86 = tpu.memref_squeeze %dma_wait3A_85 : memref<1x128x64xf32, #tpu.memory_space<vmem>> -> memref<128x64xf32, #tpu.memory_space<vmem>>
    %dma_wait3A_87 = arith.constant 0 : i32
    %dma_wait3A_88 = tpu.memref_slice %arg5[%dma_wait3A, %dma_wait3A_87] : memref<50x128xi32, #tpu.memory_space<vmem>> -> memref<1x128xi32, #tpu.memory_space<vmem>>
    %dma_wait3A_89 = tpu.memref_squeeze %dma_wait3A_88 : memref<1x128xi32, #tpu.memory_space<vmem>> -> memref<128xi32, #tpu.memory_space<vmem>>
    %dma_wait3A_90 = arith.constant 0 : i32
    %dma_wait3A_91 = arith.constant 0 : i32
    %dma_wait3A_92 = tpu.memref_slice %arg3[%dma_wait3A_90, %dma_wait3A_91] : memref<1000000x64xf32, #tpu.memory_space<hbm>> -> memref<1000000x64xf32, #tpu.memory_space<hbm>>
    %dma_wait3A_93 = tpu.memref_slice %arg7[%dma_wait3A_82] : memref<5x!tpu.dma_semaphore, #tpu.memory_space<semaphore_mem>> -> memref<1x!tpu.dma_semaphore, #tpu.memory_space<semaphore_mem>>
    %dma_wait3A_94 = tpu.memref_squeeze %dma_wait3A_93 : memref<1x!tpu.dma_semaphore, #tpu.memory_space<semaphore_mem>> -> memref<!tpu.dma_semaphore, #tpu.memory_space<semaphore_mem>>
    tpu.wait_indirect_dma semaphore(%dma_wait3A_94 : memref<!tpu.dma_semaphore, #tpu.memory_space<semaphore_mem>>) src(%dma_wait3A_92 : memref<1000000x64xf32, #tpu.memory_space<hbm>>) dst(%dma_wait3A_86 : memref<128x64xf32, #tpu.memory_space<vmem>>)
    %add3A_95 = arith.constant 5760 : i32
    %add3A_96 = arith.addi %mul3A_2, %add3A_95 : i32
    %dma_start3A_97 = arith.constant 0 : i32
    %dma_start3A_98 = arith.constant 0 : i32
    %dma_start3A_99 = arith.constant 0 : i32
    %dma_start3A_100 = arith.constant 0 : i32
    %dma_start3A_101 = tpu.memref_slice %arg6[%dma_start3A_97, %dma_start3A_99, %dma_start3A_100] : memref<5x128x64xf32, #tpu.memory_space<vmem>> -> memref<1x128x64xf32, #tpu.memory_space<vmem>>
    %dma_start3A_102 = tpu.memref_squeeze %dma_start3A_101 : memref<1x128x64xf32, #tpu.memory_space<vmem>> -> memref<128x64xf32, #tpu.memory_space<vmem>>
    %dma_start3A_103 = arith.constant 0 : i32
    %dma_start3A_104 = tpu.memref_slice %arg4[%add3A_96, %dma_start3A_103] : memref<204800x64xf32, #tpu.memory_space<hbm>> -> memref<128x64xf32, #tpu.memory_space<hbm>>
    %dma_start3A_105 = tpu.memref_slice %arg8[%dma_start3A_98] : memref<5x!tpu.dma_semaphore, #tpu.memory_space<semaphore_mem>> -> memref<1x!tpu.dma_semaphore, #tpu.memory_space<semaphore_mem>>
    %dma_start3A_106 = tpu.memref_squeeze %dma_start3A_105 : memref<1x!tpu.dma_semaphore, #tpu.memory_space<semaphore_mem>> -> memref<!tpu.dma_semaphore, #tpu.memory_space<semaphore_mem>>
    %dma_start3A_107 = arith.constant 0 : i32
    %dma_start3A_108 = tpu.memref_slice %arg4[%add3A_96, %dma_start3A_107] : memref<204800x64xf32, #tpu.memory_space<hbm>> -> memref<128x64xf32, #tpu.memory_space<hbm>>
    %dma_start3A_109 = arith.constant 0 : i32
    %dma_start3A_110 = arith.constant 0 : i32
    %dma_start3A_111 = tpu.memref_slice %arg6[%dma_start3A_97, %dma_start3A_109, %dma_start3A_110] : memref<5x128x64xf32, #tpu.memory_space<vmem>> -> memref<1x128x64xf32, #tpu.memory_space<vmem>>
    %dma_start3A_112 = tpu.memref_squeeze %dma_start3A_111 : memref<1x128x64xf32, #tpu.memory_space<vmem>> -> memref<128x64xf32, #tpu.memory_space<vmem>>
    tpu.enqueue_dma source(%dma_start3A_112 : memref<128x64xf32, #tpu.memory_space<vmem>>) target(%dma_start3A_108 : memref<128x64xf32, #tpu.memory_space<hbm>>) target_semaphore(%dma_start3A_106 : memref<!tpu.dma_semaphore, #tpu.memory_space<semaphore_mem>>)
    %dma_wait3A_113 = arith.constant 0 : i32
    %dma_wait3A_114 = arith.constant 1 : i32
    %dma_wait3A_115 = arith.constant 1 : i32
    %dma_wait3A_116 = arith.constant 0 : i32
    %dma_wait3A_117 = arith.constant 0 : i32
    %dma_wait3A_118 = tpu.memref_slice %arg6[%dma_wait3A_114, %dma_wait3A_116, %dma_wait3A_117] : memref<5x128x64xf32, #tpu.memory_space<vmem>> -> memref<1x128x64xf32, #tpu.memory_space<vmem>>
    %dma_wait3A_119 = tpu.memref_squeeze %dma_wait3A_118 : memref<1x128x64xf32, #tpu.memory_space<vmem>> -> memref<128x64xf32, #tpu.memory_space<vmem>>
    %dma_wait3A_120 = arith.constant 0 : i32
    %dma_wait3A_121 = tpu.memref_slice %arg5[%dma_wait3A_113, %dma_wait3A_120] : memref<50x128xi32, #tpu.memory_space<vmem>> -> memref<1x128xi32, #tpu.memory_space<vmem>>
    %dma_wait3A_122 = tpu.memref_squeeze %dma_wait3A_121 : memref<1x128xi32, #tpu.memory_space<vmem>> -> memref<128xi32, #tpu.memory_space<vmem>>
    %dma_wait3A_123 = arith.constant 0 : i32
    %dma_wait3A_124 = arith.constant 0 : i32
    %dma_wait3A_125 = tpu.memref_slice %arg3[%dma_wait3A_123, %dma_wait3A_124] : memref<1000000x64xf32, #tpu.memory_space<hbm>> -> memref<1000000x64xf32, #tpu.memory_space<hbm>>
    %dma_wait3A_126 = tpu.memref_slice %arg7[%dma_wait3A_115] : memref<5x!tpu.dma_semaphore, #tpu.memory_space<semaphore_mem>> -> memref<1x!tpu.dma_semaphore, #tpu.memory_space<semaphore_mem>>
    %dma_wait3A_127 = tpu.memref_squeeze %dma_wait3A_126 : memref<1x!tpu.dma_semaphore, #tpu.memory_space<semaphore_mem>> -> memref<!tpu.dma_semaphore, #tpu.memory_space<semaphore_mem>>
    tpu.wait_indirect_dma semaphore(%dma_wait3A_127 : memref<!tpu.dma_semaphore, #tpu.memory_space<semaphore_mem>>) src(%dma_wait3A_125 : memref<1000000x64xf32, #tpu.memory_space<hbm>>) dst(%dma_wait3A_119 : memref<128x64xf32, #tpu.memory_space<vmem>>)
    %add3A_128 = arith.constant 5888 : i32
    %add3A_129 = arith.addi %mul3A_2, %add3A_128 : i32
    %dma_start3A_130 = arith.constant 1 : i32
    %dma_start3A_131 = arith.constant 1 : i32
    %dma_start3A_132 = arith.constant 0 : i32
    %dma_start3A_133 = arith.constant 0 : i32
    %dma_start3A_134 = tpu.memref_slice %arg6[%dma_start3A_130, %dma_start3A_132, %dma_start3A_133] : memref<5x128x64xf32, #tpu.memory_space<vmem>> -> memref<1x128x64xf32, #tpu.memory_space<vmem>>
    %dma_start3A_135 = tpu.memref_squeeze %dma_start3A_134 : memref<1x128x64xf32, #tpu.memory_space<vmem>> -> memref<128x64xf32, #tpu.memory_space<vmem>>
    %dma_start3A_136 = arith.constant 0 : i32
    %dma_start3A_137 = tpu.memref_slice %arg4[%add3A_129, %dma_start3A_136] : memref<204800x64xf32, #tpu.memory_space<hbm>> -> memref<128x64xf32, #tpu.memory_space<hbm>>
    %dma_start3A_138 = tpu.memref_slice %arg8[%dma_start3A_131] : memref<5x!tpu.dma_semaphore, #tpu.memory_space<semaphore_mem>> -> memref<1x!tpu.dma_semaphore, #tpu.memory_space<semaphore_mem>>
    %dma_start3A_139 = tpu.memref_squeeze %dma_start3A_138 : memref<1x!tpu.dma_semaphore, #tpu.memory_space<semaphore_mem>> -> memref<!tpu.dma_semaphore, #tpu.memory_space<semaphore_mem>>
    %dma_start3A_140 = arith.constant 0 : i32
    %dma_start3A_141 = tpu.memref_slice %arg4[%add3A_129, %dma_start3A_140] : memref<204800x64xf32, #tpu.memory_space<hbm>> -> memref<128x64xf32, #tpu.memory_space<hbm>>
    %dma_start3A_142 = arith.constant 0 : i32
    %dma_start3A_143 = arith.constant 0 : i32
    %dma_start3A_144 = tpu.memref_slice %arg6[%dma_start3A_130, %dma_start3A_142, %dma_start3A_143] : memref<5x128x64xf32, #tpu.memory_space<vmem>> -> memref<1x128x64xf32, #tpu.memory_space<vmem>>
    %dma_start3A_145 = tpu.memref_squeeze %dma_start3A_144 : memref<1x128x64xf32, #tpu.memory_space<vmem>> -> memref<128x64xf32, #tpu.memory_space<vmem>>
    tpu.enqueue_dma source(%dma_start3A_145 : memref<128x64xf32, #tpu.memory_space<vmem>>) target(%dma_start3A_141 : memref<128x64xf32, #tpu.memory_space<hbm>>) target_semaphore(%dma_start3A_139 : memref<!tpu.dma_semaphore, #tpu.memory_space<semaphore_mem>>)
    %dma_wait3A_146 = arith.constant 0 : i32
    %dma_wait3A_147 = arith.constant 2 : i32
    %dma_wait3A_148 = arith.constant 2 : i32
    %dma_wait3A_149 = arith.constant 0 : i32
    %dma_wait3A_150 = arith.constant 0 : i32
    %dma_wait3A_151 = tpu.memref_slice %arg6[%dma_wait3A_147, %dma_wait3A_149, %dma_wait3A_150] : memref<5x128x64xf32, #tpu.memory_space<vmem>> -> memref<1x128x64xf32, #tpu.memory_space<vmem>>
    %dma_wait3A_152 = tpu.memref_squeeze %dma_wait3A_151 : memref<1x128x64xf32, #tpu.memory_space<vmem>> -> memref<128x64xf32, #tpu.memory_space<vmem>>
    %dma_wait3A_153 = arith.constant 0 : i32
    %dma_wait3A_154 = tpu.memref_slice %arg5[%dma_wait3A_146, %dma_wait3A_153] : memref<50x128xi32, #tpu.memory_space<vmem>> -> memref<1x128xi32, #tpu.memory_space<vmem>>
    %dma_wait3A_155 = tpu.memref_squeeze %dma_wait3A_154 : memref<1x128xi32, #tpu.memory_space<vmem>> -> memref<128xi32, #tpu.memory_space<vmem>>
    %dma_wait3A_156 = arith.constant 0 : i32
    %dma_wait3A_157 = arith.constant 0 : i32
    %dma_wait3A_158 = tpu.memref_slice %arg3[%dma_wait3A_156, %dma_wait3A_157] : memref<1000000x64xf32, #tpu.memory_space<hbm>> -> memref<1000000x64xf32, #tpu.memory_space<hbm>>
    %dma_wait3A_159 = tpu.memref_slice %arg7[%dma_wait3A_148] : memref<5x!tpu.dma_semaphore, #tpu.memory_space<semaphore_mem>> -> memref<1x!tpu.dma_semaphore, #tpu.memory_space<semaphore_mem>>
    %dma_wait3A_160 = tpu.memref_squeeze %dma_wait3A_159 : memref<1x!tpu.dma_semaphore, #tpu.memory_space<semaphore_mem>> -> memref<!tpu.dma_semaphore, #tpu.memory_space<semaphore_mem>>
    tpu.wait_indirect_dma semaphore(%dma_wait3A_160 : memref<!tpu.dma_semaphore, #tpu.memory_space<semaphore_mem>>) src(%dma_wait3A_158 : memref<1000000x64xf32, #tpu.memory_space<hbm>>) dst(%dma_wait3A_152 : memref<128x64xf32, #tpu.memory_space<vmem>>)
    %add3A_161 = arith.constant 6016 : i32
    %add3A_162 = arith.addi %mul3A_2, %add3A_161 : i32
    %dma_start3A_163 = arith.constant 2 : i32
    %dma_start3A_164 = arith.constant 2 : i32
    %dma_start3A_165 = arith.constant 0 : i32
    %dma_start3A_166 = arith.constant 0 : i32
    %dma_start3A_167 = tpu.memref_slice %arg6[%dma_start3A_163, %dma_start3A_165, %dma_start3A_166] : memref<5x128x64xf32, #tpu.memory_space<vmem>> -> memref<1x128x64xf32, #tpu.memory_space<vmem>>
    %dma_start3A_168 = tpu.memref_squeeze %dma_start3A_167 : memref<1x128x64xf32, #tpu.memory_space<vmem>> -> memref<128x64xf32, #tpu.memory_space<vmem>>
    %dma_start3A_169 = arith.constant 0 : i32
    %dma_start3A_170 = tpu.memref_slice %arg4[%add3A_162, %dma_start3A_169] : memref<204800x64xf32, #tpu.memory_space<hbm>> -> memref<128x64xf32, #tpu.memory_space<hbm>>
    %dma_start3A_171 = tpu.memref_slice %arg8[%dma_start3A_164] : memref<5x!tpu.dma_semaphore, #tpu.memory_space<semaphore_mem>> -> memref<1x!tpu.dma_semaphore, #tpu.memory_space<semaphore_mem>>
    %dma_start3A_172 = tpu.memref_squeeze %dma_start3A_171 : memref<1x!tpu.dma_semaphore, #tpu.memory_space<semaphore_mem>> -> memref<!tpu.dma_semaphore, #tpu.memory_space<semaphore_mem>>
    %dma_start3A_173 = arith.constant 0 : i32
    %dma_start3A_174 = tpu.memref_slice %arg4[%add3A_162, %dma_start3A_173] : memref<204800x64xf32, #tpu.memory_space<hbm>> -> memref<128x64xf32, #tpu.memory_space<hbm>>
    %dma_start3A_175 = arith.constant 0 : i32
    %dma_start3A_176 = arith.constant 0 : i32
    %dma_start3A_177 = tpu.memref_slice %arg6[%dma_start3A_163, %dma_start3A_175, %dma_start3A_176] : memref<5x128x64xf32, #tpu.memory_space<vmem>> -> memref<1x128x64xf32, #tpu.memory_space<vmem>>
    %dma_start3A_178 = tpu.memref_squeeze %dma_start3A_177 : memref<1x128x64xf32, #tpu.memory_space<vmem>> -> memref<128x64xf32, #tpu.memory_space<vmem>>
    tpu.enqueue_dma source(%dma_start3A_178 : memref<128x64xf32, #tpu.memory_space<vmem>>) target(%dma_start3A_174 : memref<128x64xf32, #tpu.memory_space<hbm>>) target_semaphore(%dma_start3A_172 : memref<!tpu.dma_semaphore, #tpu.memory_space<semaphore_mem>>)
    %dma_wait3A_179 = arith.constant 0 : i32
    %dma_wait3A_180 = arith.constant 3 : i32
    %dma_wait3A_181 = arith.constant 3 : i32
    %dma_wait3A_182 = arith.constant 0 : i32
    %dma_wait3A_183 = arith.constant 0 : i32
    %dma_wait3A_184 = tpu.memref_slice %arg6[%dma_wait3A_180, %dma_wait3A_182, %dma_wait3A_183] : memref<5x128x64xf32, #tpu.memory_space<vmem>> -> memref<1x128x64xf32, #tpu.memory_space<vmem>>
    %dma_wait3A_185 = tpu.memref_squeeze %dma_wait3A_184 : memref<1x128x64xf32, #tpu.memory_space<vmem>> -> memref<128x64xf32, #tpu.memory_space<vmem>>
    %dma_wait3A_186 = arith.constant 0 : i32
    %dma_wait3A_187 = tpu.memref_slice %arg5[%dma_wait3A_179, %dma_wait3A_186] : memref<50x128xi32, #tpu.memory_space<vmem>> -> memref<1x128xi32, #tpu.memory_space<vmem>>
    %dma_wait3A_188 = tpu.memref_squeeze %dma_wait3A_187 : memref<1x128xi32, #tpu.memory_space<vmem>> -> memref<128xi32, #tpu.memory_space<vmem>>
    %dma_wait3A_189 = arith.constant 0 : i32
    %dma_wait3A_190 = arith.constant 0 : i32
    %dma_wait3A_191 = tpu.memref_slice %arg3[%dma_wait3A_189, %dma_wait3A_190] : memref<1000000x64xf32, #tpu.memory_space<hbm>> -> memref<1000000x64xf32, #tpu.memory_space<hbm>>
    %dma_wait3A_192 = tpu.memref_slice %arg7[%dma_wait3A_181] : memref<5x!tpu.dma_semaphore, #tpu.memory_space<semaphore_mem>> -> memref<1x!tpu.dma_semaphore, #tpu.memory_space<semaphore_mem>>
    %dma_wait3A_193 = tpu.memref_squeeze %dma_wait3A_192 : memref<1x!tpu.dma_semaphore, #tpu.memory_space<semaphore_mem>> -> memref<!tpu.dma_semaphore, #tpu.memory_space<semaphore_mem>>
    tpu.wait_indirect_dma semaphore(%dma_wait3A_193 : memref<!tpu.dma_semaphore, #tpu.memory_space<semaphore_mem>>) src(%dma_wait3A_191 : memref<1000000x64xf32, #tpu.memory_space<hbm>>) dst(%dma_wait3A_185 : memref<128x64xf32, #tpu.memory_space<vmem>>)
    %add3A_194 = arith.constant 6144 : i32
    %add3A_195 = arith.addi %mul3A_2, %add3A_194 : i32
    %dma_start3A_196 = arith.constant 3 : i32
    %dma_start3A_197 = arith.constant 3 : i32
    %dma_start3A_198 = arith.constant 0 : i32
    %dma_start3A_199 = arith.constant 0 : i32
    %dma_start3A_200 = tpu.memref_slice %arg6[%dma_start3A_196, %dma_start3A_198, %dma_start3A_199] : memref<5x128x64xf32, #tpu.memory_space<vmem>> -> memref<1x128x64xf32, #tpu.memory_space<vmem>>
    %dma_start3A_201 = tpu.memref_squeeze %dma_start3A_200 : memref<1x128x64xf32, #tpu.memory_space<vmem>> -> memref<128x64xf32, #tpu.memory_space<vmem>>
    %dma_start3A_202 = arith.constant 0 : i32
    %dma_start3A_203 = tpu.memref_slice %arg4[%add3A_195, %dma_start3A_202] : memref<204800x64xf32, #tpu.memory_space<hbm>> -> memref<128x64xf32, #tpu.memory_space<hbm>>
    %dma_start3A_204 = tpu.memref_slice %arg8[%dma_start3A_197] : memref<5x!tpu.dma_semaphore, #tpu.memory_space<semaphore_mem>> -> memref<1x!tpu.dma_semaphore, #tpu.memory_space<semaphore_mem>>
    %dma_start3A_205 = tpu.memref_squeeze %dma_start3A_204 : memref<1x!tpu.dma_semaphore, #tpu.memory_space<semaphore_mem>> -> memref<!tpu.dma_semaphore, #tpu.memory_space<semaphore_mem>>
    %dma_start3A_206 = arith.constant 0 : i32
    %dma_start3A_207 = tpu.memref_slice %arg4[%add3A_195, %dma_start3A_206] : memref<204800x64xf32, #tpu.memory_space<hbm>> -> memref<128x64xf32, #tpu.memory_space<hbm>>
    %dma_start3A_208 = arith.constant 0 : i32
    %dma_start3A_209 = arith.constant 0 : i32
    %dma_start3A_210 = tpu.memref_slice %arg6[%dma_start3A_196, %dma_start3A_208, %dma_start3A_209] : memref<5x128x64xf32, #tpu.memory_space<vmem>> -> memref<1x128x64xf32, #tpu.memory_space<vmem>>
    %dma_start3A_211 = tpu.memref_squeeze %dma_start3A_210 : memref<1x128x64xf32, #tpu.memory_space<vmem>> -> memref<128x64xf32, #tpu.memory_space<vmem>>
    tpu.enqueue_dma source(%dma_start3A_211 : memref<128x64xf32, #tpu.memory_space<vmem>>) target(%dma_start3A_207 : memref<128x64xf32, #tpu.memory_space<hbm>>) target_semaphore(%dma_start3A_205 : memref<!tpu.dma_semaphore, #tpu.memory_space<semaphore_mem>>)
    %dma_wait3A_212 = arith.constant 0 : i32
    %dma_wait3A_213 = arith.constant 4 : i32
    %dma_wait3A_214 = arith.constant 4 : i32
    %dma_wait3A_215 = arith.constant 0 : i32
    %dma_wait3A_216 = arith.constant 0 : i32
    %dma_wait3A_217 = tpu.memref_slice %arg6[%dma_wait3A_213, %dma_wait3A_215, %dma_wait3A_216] : memref<5x128x64xf32, #tpu.memory_space<vmem>> -> memref<1x128x64xf32, #tpu.memory_space<vmem>>
    %dma_wait3A_218 = tpu.memref_squeeze %dma_wait3A_217 : memref<1x128x64xf32, #tpu.memory_space<vmem>> -> memref<128x64xf32, #tpu.memory_space<vmem>>
    %dma_wait3A_219 = arith.constant 0 : i32
    %dma_wait3A_220 = tpu.memref_slice %arg5[%dma_wait3A_212, %dma_wait3A_219] : memref<50x128xi32, #tpu.memory_space<vmem>> -> memref<1x128xi32, #tpu.memory_space<vmem>>
    %dma_wait3A_221 = tpu.memref_squeeze %dma_wait3A_220 : memref<1x128xi32, #tpu.memory_space<vmem>> -> memref<128xi32, #tpu.memory_space<vmem>>
    %dma_wait3A_222 = arith.constant 0 : i32
    %dma_wait3A_223 = arith.constant 0 : i32
    %dma_wait3A_224 = tpu.memref_slice %arg3[%dma_wait3A_222, %dma_wait3A_223] : memref<1000000x64xf32, #tpu.memory_space<hbm>> -> memref<1000000x64xf32, #tpu.memory_space<hbm>>
    %dma_wait3A_225 = tpu.memref_slice %arg7[%dma_wait3A_214] : memref<5x!tpu.dma_semaphore, #tpu.memory_space<semaphore_mem>> -> memref<1x!tpu.dma_semaphore, #tpu.memory_space<semaphore_mem>>
    %dma_wait3A_226 = tpu.memref_squeeze %dma_wait3A_225 : memref<1x!tpu.dma_semaphore, #tpu.memory_space<semaphore_mem>> -> memref<!tpu.dma_semaphore, #tpu.memory_space<semaphore_mem>>
    tpu.wait_indirect_dma semaphore(%dma_wait3A_226 : memref<!tpu.dma_semaphore, #tpu.memory_space<semaphore_mem>>) src(%dma_wait3A_224 : memref<1000000x64xf32, #tpu.memory_space<hbm>>) dst(%dma_wait3A_218 : memref<128x64xf32, #tpu.memory_space<vmem>>)
    %add3A_227 = arith.constant 6272 : i32
    %add3A_228 = arith.addi %mul3A_2, %add3A_227 : i32
    %dma_start3A_229 = arith.constant 4 : i32
    %dma_start3A_230 = arith.constant 4 : i32
    %dma_start3A_231 = arith.constant 0 : i32
    %dma_start3A_232 = arith.constant 0 : i32
    %dma_start3A_233 = tpu.memref_slice %arg6[%dma_start3A_229, %dma_start3A_231, %dma_start3A_232] : memref<5x128x64xf32, #tpu.memory_space<vmem>> -> memref<1x128x64xf32, #tpu.memory_space<vmem>>
    %dma_start3A_234 = tpu.memref_squeeze %dma_start3A_233 : memref<1x128x64xf32, #tpu.memory_space<vmem>> -> memref<128x64xf32, #tpu.memory_space<vmem>>
    %dma_start3A_235 = arith.constant 0 : i32
    %dma_start3A_236 = tpu.memref_slice %arg4[%add3A_228, %dma_start3A_235] : memref<204800x64xf32, #tpu.memory_space<hbm>> -> memref<128x64xf32, #tpu.memory_space<hbm>>
    %dma_start3A_237 = tpu.memref_slice %arg8[%dma_start3A_230] : memref<5x!tpu.dma_semaphore, #tpu.memory_space<semaphore_mem>> -> memref<1x!tpu.dma_semaphore, #tpu.memory_space<semaphore_mem>>
    %dma_start3A_238 = tpu.memref_squeeze %dma_start3A_237 : memref<1x!tpu.dma_semaphore, #tpu.memory_space<semaphore_mem>> -> memref<!tpu.dma_semaphore, #tpu.memory_space<semaphore_mem>>
    %dma_start3A_239 = arith.constant 0 : i32
    %dma_start3A_240 = tpu.memref_slice %arg4[%add3A_228, %dma_start3A_239] : memref<204800x64xf32, #tpu.memory_space<hbm>> -> memref<128x64xf32, #tpu.memory_space<hbm>>
    %dma_start3A_241 = arith.constant 0 : i32
    %dma_start3A_242 = arith.constant 0 : i32
    %dma_start3A_243 = tpu.memref_slice %arg6[%dma_start3A_229, %dma_start3A_241, %dma_start3A_242] : memref<5x128x64xf32, #tpu.memory_space<vmem>> -> memref<1x128x64xf32, #tpu.memory_space<vmem>>
    %dma_start3A_244 = tpu.memref_squeeze %dma_start3A_243 : memref<1x128x64xf32, #tpu.memory_space<vmem>> -> memref<128x64xf32, #tpu.memory_space<vmem>>
    tpu.enqueue_dma source(%dma_start3A_244 : memref<128x64xf32, #tpu.memory_space<vmem>>) target(%dma_start3A_240 : memref<128x64xf32, #tpu.memory_space<hbm>>) target_semaphore(%dma_start3A_238 : memref<!tpu.dma_semaphore, #tpu.memory_space<semaphore_mem>>)
    %dma_wait3A_245 = arith.constant 0 : i32
    %dma_wait3A_246 = arith.constant 0 : i32
    %dma_wait3A_247 = arith.constant 0 : i32
    %dma_wait3A_248 = arith.constant 0 : i32
    %dma_wait3A_249 = tpu.memref_slice %arg6[%dma_wait3A_245, %dma_wait3A_247, %dma_wait3A_248] : memref<5x128x64xf32, #tpu.memory_space<vmem>> -> memref<1x128x64xf32, #tpu.memory_space<vmem>>
    %dma_wait3A_250 = tpu.memref_squeeze %dma_wait3A_249 : memref<1x128x64xf32, #tpu.memory_space<vmem>> -> memref<128x64xf32, #tpu.memory_space<vmem>>
    %dma_wait3A_251 = arith.constant 0 : i32
    %dma_wait3A_252 = tpu.memref_slice %arg4[%mul3A_2, %dma_wait3A_251] : memref<204800x64xf32, #tpu.memory_space<hbm>> -> memref<128x64xf32, #tpu.memory_space<hbm>>
    %dma_wait3A_253 = tpu.memref_slice %arg8[%dma_wait3A_246] : memref<5x!tpu.dma_semaphore, #tpu.memory_space<semaphore_mem>> -> memref<1x!tpu.dma_semaphore, #tpu.memory_space<semaphore_mem>>
    %dma_wait3A_254 = tpu.memref_squeeze %dma_wait3A_253 : memref<1x!tpu.dma_semaphore, #tpu.memory_space<semaphore_mem>> -> memref<!tpu.dma_semaphore, #tpu.memory_space<semaphore_mem>>
    %dma_wait3A_255 = arith.constant 0 : i32
    %dma_wait3A_256 = tpu.memref_slice %arg4[%mul3A_2, %dma_wait3A_255] : memref<204800x64xf32, #tpu.memory_space<hbm>> -> memref<128x64xf32, #tpu.memory_space<hbm>>
    %dma_wait3A_257 = arith.constant 0 : i32
    %dma_wait3A_258 = arith.constant 0 : i32
    %dma_wait3A_259 = tpu.memref_slice %arg6[%dma_wait3A_245, %dma_wait3A_257, %dma_wait3A_258] : memref<5x128x64xf32, #tpu.memory_space<vmem>> -> memref<1x128x64xf32, #tpu.memory_space<vmem>>
    %dma_wait3A_260 = tpu.memref_squeeze %dma_wait3A_259 : memref<1x128x64xf32, #tpu.memory_space<vmem>> -> memref<128x64xf32, #tpu.memory_space<vmem>>
    tpu.wait_dma2 semaphore(%dma_wait3A_254 : memref<!tpu.dma_semaphore, #tpu.memory_space<semaphore_mem>>) src(%dma_wait3A_260 : memref<128x64xf32, #tpu.memory_space<vmem>>) dst(%dma_wait3A_256 : memref<128x64xf32, #tpu.memory_space<hbm>>)
    %dma_wait3A_261 = arith.constant 1 : i32
    %dma_wait3A_262 = arith.constant 1 : i32
    %dma_wait3A_263 = arith.constant 0 : i32
    %dma_wait3A_264 = arith.constant 0 : i32
    %dma_wait3A_265 = tpu.memref_slice %arg6[%dma_wait3A_261, %dma_wait3A_263, %dma_wait3A_264] : memref<5x128x64xf32, #tpu.memory_space<vmem>> -> memref<1x128x64xf32, #tpu.memory_space<vmem>>
    %dma_wait3A_266 = tpu.memref_squeeze %dma_wait3A_265 : memref<1x128x64xf32, #tpu.memory_space<vmem>> -> memref<128x64xf32, #tpu.memory_space<vmem>>
    %dma_wait3A_267 = arith.constant 0 : i32
    %dma_wait3A_268 = tpu.memref_slice %arg4[%mul3A_2, %dma_wait3A_267] : memref<204800x64xf32, #tpu.memory_space<hbm>> -> memref<128x64xf32, #tpu.memory_space<hbm>>
    %dma_wait3A_269 = tpu.memref_slice %arg8[%dma_wait3A_262] : memref<5x!tpu.dma_semaphore, #tpu.memory_space<semaphore_mem>> -> memref<1x!tpu.dma_semaphore, #tpu.memory_space<semaphore_mem>>
    %dma_wait3A_270 = tpu.memref_squeeze %dma_wait3A_269 : memref<1x!tpu.dma_semaphore, #tpu.memory_space<semaphore_mem>> -> memref<!tpu.dma_semaphore, #tpu.memory_space<semaphore_mem>>
    %dma_wait3A_271 = arith.constant 0 : i32
    %dma_wait3A_272 = tpu.memref_slice %arg4[%mul3A_2, %dma_wait3A_271] : memref<204800x64xf32, #tpu.memory_space<hbm>> -> memref<128x64xf32, #tpu.memory_space<hbm>>
    %dma_wait3A_273 = arith.constant 0 : i32
    %dma_wait3A_274 = arith.constant 0 : i32
    %dma_wait3A_275 = tpu.memref_slice %arg6[%dma_wait3A_261, %dma_wait3A_273, %dma_wait3A_274] : memref<5x128x64xf32, #tpu.memory_space<vmem>> -> memref<1x128x64xf32, #tpu.memory_space<vmem>>
    %dma_wait3A_276 = tpu.memref_squeeze %dma_wait3A_275 : memref<1x128x64xf32, #tpu.memory_space<vmem>> -> memref<128x64xf32, #tpu.memory_space<vmem>>
    tpu.wait_dma2 semaphore(%dma_wait3A_270 : memref<!tpu.dma_semaphore, #tpu.memory_space<semaphore_mem>>) src(%dma_wait3A_276 : memref<128x64xf32, #tpu.memory_space<vmem>>) dst(%dma_wait3A_272 : memref<128x64xf32, #tpu.memory_space<hbm>>)
    %dma_wait3A_277 = arith.constant 2 : i32
    %dma_wait3A_278 = arith.constant 2 : i32
    %dma_wait3A_279 = arith.constant 0 : i32
    %dma_wait3A_280 = arith.constant 0 : i32
    %dma_wait3A_281 = tpu.memref_slice %arg6[%dma_wait3A_277, %dma_wait3A_279, %dma_wait3A_280] : memref<5x128x64xf32, #tpu.memory_space<vmem>> -> memref<1x128x64xf32, #tpu.memory_space<vmem>>
    %dma_wait3A_282 = tpu.memref_squeeze %dma_wait3A_281 : memref<1x128x64xf32, #tpu.memory_space<vmem>> -> memref<128x64xf32, #tpu.memory_space<vmem>>
    %dma_wait3A_283 = arith.constant 0 : i32
    %dma_wait3A_284 = tpu.memref_slice %arg4[%mul3A_2, %dma_wait3A_283] : memref<204800x64xf32, #tpu.memory_space<hbm>> -> memref<128x64xf32, #tpu.memory_space<hbm>>
    %dma_wait3A_285 = tpu.memref_slice %arg8[%dma_wait3A_278] : memref<5x!tpu.dma_semaphore, #tpu.memory_space<semaphore_mem>> -> memref<1x!tpu.dma_semaphore, #tpu.memory_space<semaphore_mem>>
    %dma_wait3A_286 = tpu.memref_squeeze %dma_wait3A_285 : memref<1x!tpu.dma_semaphore, #tpu.memory_space<semaphore_mem>> -> memref<!tpu.dma_semaphore, #tpu.memory_space<semaphore_mem>>
    %dma_wait3A_287 = arith.constant 0 : i32
    %dma_wait3A_288 = tpu.memref_slice %arg4[%mul3A_2, %dma_wait3A_287] : memref<204800x64xf32, #tpu.memory_space<hbm>> -> memref<128x64xf32, #tpu.memory_space<hbm>>
    %dma_wait3A_289 = arith.constant 0 : i32
    %dma_wait3A_290 = arith.constant 0 : i32
    %dma_wait3A_291 = tpu.memref_slice %arg6[%dma_wait3A_277, %dma_wait3A_289, %dma_wait3A_290] : memref<5x128x64xf32, #tpu.memory_space<vmem>> -> memref<1x128x64xf32, #tpu.memory_space<vmem>>
    %dma_wait3A_292 = tpu.memref_squeeze %dma_wait3A_291 : memref<1x128x64xf32, #tpu.memory_space<vmem>> -> memref<128x64xf32, #tpu.memory_space<vmem>>
    tpu.wait_dma2 semaphore(%dma_wait3A_286 : memref<!tpu.dma_semaphore, #tpu.memory_space<semaphore_mem>>) src(%dma_wait3A_292 : memref<128x64xf32, #tpu.memory_space<vmem>>) dst(%dma_wait3A_288 : memref<128x64xf32, #tpu.memory_space<hbm>>)
    %dma_wait3A_293 = arith.constant 3 : i32
    %dma_wait3A_294 = arith.constant 3 : i32
    %dma_wait3A_295 = arith.constant 0 : i32
    %dma_wait3A_296 = arith.constant 0 : i32
    %dma_wait3A_297 = tpu.memref_slice %arg6[%dma_wait3A_293, %dma_wait3A_295, %dma_wait3A_296] : memref<5x128x64xf32, #tpu.memory_space<vmem>> -> memref<1x128x64xf32, #tpu.memory_space<vmem>>
    %dma_wait3A_298 = tpu.memref_squeeze %dma_wait3A_297 : memref<1x128x64xf32, #tpu.memory_space<vmem>> -> memref<128x64xf32, #tpu.memory_space<vmem>>
    %dma_wait3A_299 = arith.constant 0 : i32
    %dma_wait3A_300 = tpu.memref_slice %arg4[%mul3A_2, %dma_wait3A_299] : memref<204800x64xf32, #tpu.memory_space<hbm>> -> memref<128x64xf32, #tpu.memory_space<hbm>>
    %dma_wait3A_301 = tpu.memref_slice %arg8[%dma_wait3A_294] : memref<5x!tpu.dma_semaphore, #tpu.memory_space<semaphore_mem>> -> memref<1x!tpu.dma_semaphore, #tpu.memory_space<semaphore_mem>>
    %dma_wait3A_302 = tpu.memref_squeeze %dma_wait3A_301 : memref<1x!tpu.dma_semaphore, #tpu.memory_space<semaphore_mem>> -> memref<!tpu.dma_semaphore, #tpu.memory_space<semaphore_mem>>
    %dma_wait3A_303 = arith.constant 0 : i32
    %dma_wait3A_304 = tpu.memref_slice %arg4[%mul3A_2, %dma_wait3A_303] : memref<204800x64xf32, #tpu.memory_space<hbm>> -> memref<128x64xf32, #tpu.memory_space<hbm>>
    %dma_wait3A_305 = arith.constant 0 : i32
    %dma_wait3A_306 = arith.constant 0 : i32
    %dma_wait3A_307 = tpu.memref_slice %arg6[%dma_wait3A_293, %dma_wait3A_305, %dma_wait3A_306] : memref<5x128x64xf32, #tpu.memory_space<vmem>> -> memref<1x128x64xf32, #tpu.memory_space<vmem>>
    %dma_wait3A_308 = tpu.memref_squeeze %dma_wait3A_307 : memref<1x128x64xf32, #tpu.memory_space<vmem>> -> memref<128x64xf32, #tpu.memory_space<vmem>>
    tpu.wait_dma2 semaphore(%dma_wait3A_302 : memref<!tpu.dma_semaphore, #tpu.memory_space<semaphore_mem>>) src(%dma_wait3A_308 : memref<128x64xf32, #tpu.memory_space<vmem>>) dst(%dma_wait3A_304 : memref<128x64xf32, #tpu.memory_space<hbm>>)
    %dma_wait3A_309 = arith.constant 4 : i32
    %dma_wait3A_310 = arith.constant 4 : i32
    %dma_wait3A_311 = arith.constant 0 : i32
    %dma_wait3A_312 = arith.constant 0 : i32
    %dma_wait3A_313 = tpu.memref_slice %arg6[%dma_wait3A_309, %dma_wait3A_311, %dma_wait3A_312] : memref<5x128x64xf32, #tpu.memory_space<vmem>> -> memref<1x128x64xf32, #tpu.memory_space<vmem>>
    %dma_wait3A_314 = tpu.memref_squeeze %dma_wait3A_313 : memref<1x128x64xf32, #tpu.memory_space<vmem>> -> memref<128x64xf32, #tpu.memory_space<vmem>>
    %dma_wait3A_315 = arith.constant 0 : i32
    %dma_wait3A_316 = tpu.memref_slice %arg4[%mul3A_2, %dma_wait3A_315] : memref<204800x64xf32, #tpu.memory_space<hbm>> -> memref<128x64xf32, #tpu.memory_space<hbm>>
    %dma_wait3A_317 = tpu.memref_slice %arg8[%dma_wait3A_310] : memref<5x!tpu.dma_semaphore, #tpu.memory_space<semaphore_mem>> -> memref<1x!tpu.dma_semaphore, #tpu.memory_space<semaphore_mem>>
    %dma_wait3A_318 = tpu.memref_squeeze %dma_wait3A_317 : memref<1x!tpu.dma_semaphore, #tpu.memory_space<semaphore_mem>> -> memref<!tpu.dma_semaphore, #tpu.memory_space<semaphore_mem>>
    %dma_wait3A_319 = arith.constant 0 : i32
    %dma_wait3A_320 = tpu.memref_slice %arg4[%mul3A_2, %dma_wait3A_319] : memref<204800x64xf32, #tpu.memory_space<hbm>> -> memref<128x64xf32, #tpu.memory_space<hbm>>
    %dma_wait3A_321 = arith.constant 0 : i32
    %dma_wait3A_322 = arith.constant 0 : i32
    %dma_wait3A_323 = tpu.memref_slice %arg6[%dma_wait3A_309, %dma_wait3A_321, %dma_wait3A_322] : memref<5x128x64xf32, #tpu.memory_space<vmem>> -> memref<1x128x64xf32, #tpu.memory_space<vmem>>
    %dma_wait3A_324 = tpu.memref_squeeze %dma_wait3A_323 : memref<1x128x64xf32, #tpu.memory_space<vmem>> -> memref<128x64xf32, #tpu.memory_space<vmem>>
    tpu.wait_dma2 semaphore(%dma_wait3A_318 : memref<!tpu.dma_semaphore, #tpu.memory_space<semaphore_mem>>) src(%dma_wait3A_324 : memref<128x64xf32, #tpu.memory_space<vmem>>) dst(%dma_wait3A_320 : memref<128x64xf32, #tpu.memory_space<hbm>>)
    return
  }
}

</mosaic_0001>

<sc_bundles>
// kernel: kernel.3.cloned.1.call-start
scs
__scs_entry_jumppad:
0x0: {  	(pc) =	sbr.rel $0x88, $3  }
0x1: {  	(tag) =	ssettag $0x0;
	lr =	simm.s32 $0x1  }
0x2: {  	[smem:$0x3F9F] =	sst lr;
	_ =	strace $0xD0000000  }
0x3: {  	_ = 	snop  }
0x4: {  	_ = 	snop  }
0x5: {  	_ = 	snop  }
0x6: {  	_ = 	snop  }
0x7: {  	_ = 	snop  }
__scs_overlays_trampoline_lowered:
0x8: {  	[smem:$0x3FAE] =	sst s0  }
0x9: {  	[smem:$0x3FAF] =	sst s1  }
0xa: {  	[smem:$0x3FB0] =	sst s2  }
0xb: {  	[smem:$0x3FB1] =	sst s3  }
0xc: {  	[smem:$0x3FB2] =	sst s4  }
0xd: {  	[smem:$0x3FB3] =	sst s5  }
0xe: {  	[smem:$0x3FB4] =	sst s6  }
0xf: {  	[smem:$0x3FB5] =	sst s7  }
0x10: {  	[smem:$0x3FB6] =	sst s8  }
0x11: {  	[smem:$0x3FB7] =	sst s9;
	s0 =	simm.s32 @!p0 $0x0  }
0x12: {  	s1 =	sld [smem:$0x3F9D];
	s0 =	simm.s32 @p0 $0x1  }
0x13: {  	[smem:$0x3FB8] =	sst s0;
	s0 =	simm.s32 @!p1 $0x0  }
0x14: {  	s2 =	sld [smem:$0x3F9C];
	s0 =	simm.s32 @p1 $0x1  }
0x15: {  	[smem:$0x3FB9] =	sst s0;
	s0 =	simm.s32 @!p2 $0x0  }
0x16: {  	s3 =	sld [smem:$0x3FDB];
	s0 =	simm.s32 @p2 $0x1  }
0x17: {  	s4 =	simm.s32 $0x1BF5;
	[smem:$0x3FBB] =	sst s0  }
0x18: {  	s0 =	sld [smem:$0x3F9E];
	_ =	swait.ge [sflag:s4], $0x0  }
0x19: {  	s7 =	sld [smem:$0x3F9F]  }
0x1a: {  	s8 =	sadd.s32 $0xFFFFE003, lr  }
0x1b: {  	s9 =	sadd.s32 $0xFFFFFEF7, lr;
	s5 =	simm.s32 $0xFFFFFFFF;
	p2 =	slt.u32 s8, $0xFFFFF086  }
0x1c: {  	p1 =	slt.u32 s9, $0xF7A;
	s5 =	simm.s32 @!p2 $0x0  }
0x1d: {  	s5 =	simm.s32 @p1 $0x1;
	p0 =	seq.s32 s7, s2  }
0x1e: {  	s7 =	smul.u32 @!p0 $0xF7A, s2;
	p2 =	seq.s32 @!p0 s5, $0x0  }
0x1f: {  	s9 =	smul.u32 $0xF7A, s1;
	s8 =	simm.s32 @!p0 $0x1BF5;
	p2 =	por !p2, p0  }
0x20: {  	[sflag:s8] =	ssyncset.s32 @!p0 $0xFFFFF086;
	s6 =	sadd.s32 @!p0 s3, s7;
	s7 =	simm.s32 @!p0 $0x108  }
0x21: {  	s3 =	sadd.s32 s3, s9;
	s6 =	sadd.s32 @!p0 $0x88, s6;
	s7 =	simm.s32 @p2 $0x1082  }
0x22: {  	[simem:s7], [sflag:s8] =	dma.local @!p0 [hbm:s6], $0xF7A  }
0x23: {  	s9 =	sor.u32 $0xD0000000, s2;
	s6 =	simm.s32 $0x108;
	_ =	swait.ge @!p0 [sflag:s8], $0x0  }
0x24: {  	s3 =	sadd.s32 $0x88, s3;
	s6 =	simm.s32 @!p1 $0x1082;
	[sflag:s4] =	ssyncset.s32 $0xFFFFF086  }
0x25: {  	[simem:s6], [sflag:s4] =	dma.local [hbm:s3], $0xF7A  }
0x26: {  	[smem:$0x3F9F] =	sst s1;
	(tag) =	ssettag s2;
	_ =	strace s9  }
0x27: {  	s1 =	sld [smem:$0x3FAF]  }
0x28: {  	s2 =	sld [smem:$0x3FB0]  }
0x29: {  	s4 =	sld [smem:$0x3FB2]  }
0x2a: {  	p0 =	seq.s32 s5, $0x0;
	s5 =	sld [smem:$0x3FB3]  }
0x2b: {  	s6 =	sld [smem:$0x3FB4]  }
0x2c: {  	s7 =	sld [smem:$0x3FB5]  }
0x2d: {  	s3 =	simm.s32 $0x108;
	s8 =	sld [smem:$0x3FB6]  }
0x2e: {  	s3 =	simm.s32 @!p0 $0x1082;
	s9 =	sld [smem:$0x3FB7]  }
0x2f: {  	lr =	sadd.s32 s0, s3;
	s0 =	sld [smem:$0x3FAE]  }
0x30: {  	s3 =	sld [smem:$0x3FB1]  }
0x31: {  	[smem:$0x3FBA] =	sst s10  }
0x32: {  	s10 =	sld [smem:$0x3FB8];
	_ =	sdelay $0x3  }
0x33: {  	p0 =	seq.s32 s10, $0x1;
	s10 =	sld [smem:$0x3FBA];
	_ =	sdelay $0x3  }
0x34: {  	[smem:$0x3FBA] =	sst s10  }
0x35: {  	s10 =	sld [smem:$0x3FB9];
	_ =	sdelay $0x3  }
0x36: {  	p1 =	seq.s32 s10, $0x1;
	s10 =	sld [smem:$0x3FBA];
	_ =	sdelay $0x3  }
0x37: {  	[smem:$0x3FBA] =	sst s10  }
0x38: {  	s10 =	sld [smem:$0x3FBB]  }
0x39: {  	_ = 	snop;
	(pc) =	sbr.ind lr, $3  }
0x3a: {  	_ = 	snop  }
0x3b: {  	_ = 	snop  }
0x3c: {  	p2 =	seq.s32 s10, $0x1;
	s10 =	sld [smem:$0x3FBA]  }
0x3d: {  	_ =	shalt  }
0x3e: {  	_ =	shalt  }
0x3f: {  	_ =	shalt  }
0x40: {  	_ =	shalt  }
0x41: {  	_ =	shalt  }
0x42: {  	_ =	shalt  }
0x43: {  	_ =	shalt  }
0x44: {  	_ =	shalt  }
0x45: {  	_ =	shalt  }
0x46: {  	_ =	shalt  }
0x47: {  	_ =	shalt  }
0x48: {  	_ =	shalt  }
0x49: {  	_ =	shalt  }
0x4a: {  	_ =	shalt  }
0x4b: {  	_ =	shalt  }
0x4c: {  	_ =	shalt  }
0x4d: {  	_ =	shalt  }
0x4e: {  	_ =	shalt  }
0x4f: {  	_ =	shalt  }
0x50: {  	_ =	shalt  }
0x51: {  	_ =	shalt  }
0x52: {  	_ =	shalt  }
0x53: {  	_ =	shalt  }
0x54: {  	_ =	shalt  }
0x55: {  	_ =	shalt  }
0x56: {  	_ =	shalt  }
0x57: {  	_ =	shalt  }
0x58: {  	_ =	shalt  }
0x59: {  	_ =	shalt  }
0x5a: {  	_ =	shalt  }
0x5b: {  	_ =	shalt  }
0x5c: {  	_ =	shalt  }
0x5d: {  	_ =	shalt  }
0x5e: {  	_ =	shalt  }
0x5f: {  	_ =	shalt  }
0x60: {  	_ =	shalt  }
0x61: {  	_ =	shalt  }
0x62: {  	_ =	shalt  }
0x63: {  	_ =	shalt  }
0x64: {  	_ =	shalt  }
0x65: {  	_ =	shalt  }
0x66: {  	_ =	shalt  }
0x67: {  	_ =	shalt  }
0x68: {  	_ =	shalt  }
0x69: {  	_ =	shalt  }
0x6a: {  	_ =	shalt  }
0x6b: {  	_ =	shalt  }
0x6c: {  	_ =	shalt  }
0x6d: {  	_ =	shalt  }
0x6e: {  	_ =	shalt  }
0x6f: {  	_ =	shalt  }
0x70: {  	_ =	shalt  }
0x71: {  	_ =	shalt  }
0x72: {  	_ =	shalt  }
0x73: {  	_ =	shalt  }
0x74: {  	_ =	shalt  }
0x75: {  	_ =	shalt  }
0x76: {  	_ =	shalt  }
0x77: {  	_ =	shalt  }
0x78: {  	_ =	shalt  }
0x79: {  	_ =	shalt  }
0x7a: {  	_ =	shalt  }
0x7b: {  	_ =	shalt  }
0x7c: {  	_ =	shalt  }
0x7d: {  	_ =	shalt  }
0x7e: {  	_ =	shalt  }
0x7f: {  	_ =	shalt  }
0x80: {  	_ =	shalt  }
0x81: {  	_ =	shalt  }
0x82: {  	_ =	shalt  }
0x83: {  	_ =	shalt  }
0x84: {  	_ =	shalt  }
0x85: {  	_ =	shalt  }
0x86: {  	_ =	shalt  }
0x87: {  	_ =	shalt  }
.Lfunc_end0:
.L_simem_size_0:
called_computation.1_lowered:
.L_overlay_start_0:
0x88: {  	s2 =	sld [smem:$0x3FD9]  }
0x89: {  	s3 =	sld [smem:$0x3FFE];
	_ =	sdelay $0x1  }
0x8a: {  	s1 =	srdreg.scid  }
0x8b: {  	s0 =	sand.u32 $0x1, s1  }
0x8c: {  	s17 =	sshll.u32 s0, $0xA;
	s2 =	sadd.s32 s3, s2  }
0x8d: {  	s2 =	sadd.s32 s2, s17  }
0x8e: {  	[smem:$0x3FC6] =	sst s2  }
0x8f: {  	_ = 	snop  }
0x90: {  	s2 =	sld [smem:$0x3FD0];
	(tm) =	ssettm $0x1  }
0x91: {  	s18 =	sld [smem:$0x3FFB];
	_ =	sdelay $0x3  }
0x92: {  	_ =	strace s18  }
0x93: {  	s3 =	sld [smem:$0x3FFC];
	_ =	sdelay $0x3  }
0x94: {  	_ =	strace s3  }
0x95: {  	s3 =	sld [smem:$0x3FFD];
	_ =	sdelay $0x3  }
0x96: {  	_ =	strace s3  }
0x97: {  	_ =	strace $0x8FFFFFFF  }
0x98: {  	s19 =	sld [smem:$0x3FDB];
	_ =	sdelay $0x1  }
0x99: {  	s4 =	simm.s32 $_scs_section_size  }
0x9a: {  	s5 =	simm.s32 $_size__tile_overlayer_lowered;
	s6 =	simm.s32 $_tile_overlayer_lowered  }
0x9b: {  	s22 =	simm.s32 $0x1BFF;
	s21 =	sshll.u32 s6, $0x1;
	s3 =	sadd.s32 s4, s19  }
0x9c: {  	s7 =	simm.s32 $0x0;
	s20 =	sshll.u32 s5, $0x1;
	s5 =	sadd.s32 s21, s3  }
0x9d: {  	[timem:s7], [sflag:s22] =	dma.local [hbm:s5], s20  }
0x9e: {  	_ =	swait.ge [sflag:s22], s20  }
0x9f: {  	s4 =	ssub.s32 $0x0, s20;
	[sflag:s22] =	ssyncset.done $0x0  }
0xa0: {  	[sflag:s22] =	ssyncadd.s32 s4;
	_ =	sdelay $0x1  }
0xa1: {  	s23 =	simm.s32 $0x1B8B  }
0xa2: {  	_ =	swait.ge [sflag:s23], $0x1  }
0xa3: {  	[sflag:s23] =	ssyncset.done $0x0  }
0xa4: {  	s25 =	simm.s32 $0x1B8E;
	s24 =	sld [smem:$0x3FFE];
	[sflag:s23] =	ssyncadd.s32 $0xFFFFFFFF  }
0xa5: {  	s26 =	simm.s32 $execute0_lowered;
	[smem:$0x3FD2] =	sst s25  }
0xa6: {  	s5 =	sshll.u32 s26, $0x1;
	_ =	strace $0x80000046;
	[dreg:$0x1] =	wrdreg $0xFFFFFFFF  }
0xa7: {  	s28 =	simm.s32 $_size_execute0_lowered;
	s3 =	sadd.s32 s3, s5;
	[dreg:$0x0] =	wrdreg $0x0  }
0xa8: {  	s5 =	sshll.u32 s28, $0x1;
	[dreg:$0x2] =	wrdreg s3  }
0xa9: {  	[dreg:$0x3] =	wrdreg s5  }
0xaa: {  	[dreg:$0x4] =	wrdreg $0xC0  }
0xab: {  	_ =	task [dreg:s7], $0x5FFFF  }
0xac: {  	[dreg:$0x1] =	wrdreg $0xFFFFFFFF  }
0xad: {  	[dreg:$0x0] =	wrdreg $0x60  }
0xae: {  	[dreg:$0x2] =	wrdreg s24  }
0xaf: {  	[dreg:$0x3] =	wrdreg s2  }
0xb0: {  	[dreg:$0x4] =	wrdreg $0x9  }
0xb1: {  	_ =	task.clear_ibuf [dreg:s7], $0x5FFFF;
	_ =	strace $0x90000046  }
0xb2: {  	s29 =	simm.s32 $0x9;
	_ =	strace $0x80000048  }
0xb3: {  	_ =	swait.ge [sflag:s29], $0x1  }
0xb4: {  	[sflag:s29] =	ssyncadd.s32 $0xFFFFFFFF  }
0xb5: {  	_ =	strace $0x90000048  }
0xb6: {  	_ =	sfence  }
0xb7: {  	s30 =	sld [smem:$0x0];
	_ =	sdelay $0x2  }
0xb8: {  	s31 =	sshll.u32 s1, $0xD;
	s1 =	sshrl.u32 s1, $0x2  }
0xb9: {  	s3 =	sand.u32 $0x4000, s31;
	s1 =	sadd.s32 s1, s30  }
0xba: {  	s0 =	sor.u32 s3, s0;
	s1 =	sshll.u32 s1, $0x11  }
0xbb: {  	s0 =	sor.u32 s1, s0  }
0xbc: {  	s0 =	sadd.s32 $0x8F2B, s0  }
0xbd: {  	[sflag:s0] =	ssyncadd.remote.s32 $0x1  }
0xbe: {  	_ =	sfence.sel $0xFFFF  }
0xbf: {  	[dreg:$0x0] =	wrdreg $0xFFFFFFFF;
	(pc) =	sbr.abs _section_cstart, $3  }
0xc0: {  	[dreg:$0x1] =	wrdreg $0xFFFFFFFF  }
0xc1: {  	_ =	task.clear_ibuf [dreg:s7], $0x2FFFF;
	_ =	strace $0x9FFFFFFF  }
0xc2: {  	(tm) =	ssettm $0x7FFFFFFF  }
0xc3: {  	_ =	shalt  }
tec
execute0_lowered:
.L_overlay_start_1:
0x0: {  	(tag) =	ssettag $0x1  }
0x1: {  	s0 =	srdreg.scid;
	s1 =	rddreg [dreg:$0x0]  }
0x2: {  	s9 =	stileid.u32;
	s4 =	rddreg [dreg:$0x1];
	s17 =	simm.s32 $0x80  }
0x3: {  	s0 =	sand.u32 $0x1, s0;
	s2 =	sshll.u32 s9, $0x1;
	s8 =	smul.u32 $0x3200, s9  }
0x4: {  	s28 =	simm.s32 $0x6;
	s25 =	smul.u32 $0x19000, s9;
	s3 =	sor.u32 s0, s2  }
0x5: {  	s29 =	simm.s32 $0x2;
	s30 =	simm.s32 $0x7;
	s5 =	smul.u32 $0x1900, s3  }
0x6: {  	s31 =	simm.s32 $0x3;
	s2 =	simm.s32 $0x0;
	s6 =	smul.u32 $0x64000, s3  }
0x7: {  	s18 =	ssub.s32 $0x2, s0;
	s19 =	smul.u32 $0x1900, s0;
	s5 =	sshrl.u32 s5, $0x3  }
0x8: {  	s0 =	smul.u32 $0xC800, s0;
	s6 =	sshrl.u32 s6, $0x3;
	s5 =	sadd.s32 s5, s1  }
0x9: {  	[smem:$0x7FF] =	sst s2;
	s6 =	sadd.s32 s4, s6;
	s5 =	sadd.s32 $0xA00, s5  }
0xa: {  	_ =	strace $0x80000047;
	s20 =	sadd.s32 $0xB400, s6;
	[dreg:$0x3] =	wrdreg s5  }
0xb: {  	s3 =	sadd.s32 $0xF42E00, s1;
	s21 =	sadd.s32 $0xB800, s6;
	[dreg:$0x4] =	wrdreg s20  }
0xc: {  	s7 =	sshrl.u32 s18, $0x1;
	s22 =	sadd.s32 $0xBC00, s6;
	[dreg:$0x5] =	wrdreg s21  }
0xd: {  	s24 =	sadd.s32 s19, s8;
	s23 =	sadd.s32 $0xC000, s6;
	[dreg:$0x6] =	wrdreg s22  }
0xe: {  	s1 =	ssub.s32 s18, s7;
	s6 =	sadd.s32 $0xC400, s6;
	[dreg:$0x7] =	wrdreg s23  }
0xf: {  	s19 =	simm.s32 $0x3900;
	s1 =	smax.u32 s1, $0x1;
	[dreg:$0x8] =	wrdreg s6  }
0x10: {  	s18 =	simm.s32 $0x1900;
	s5 =	sshll.u32 s24, $0x3;
	[dreg:$0x9] =	wrdreg s1  }
0x11: {  	s21 =	simm.s32 $0x5900;
	s23 =	simm.s32 $0x7900;
	s1 =	simm.s32 $0x8  }
0x12: {  	s20 =	simm.s32 $0x9;
	s22 =	simm.s32 $0x5;
	s24 =	simm.s32 $0xA  }
0x13: {  	s26 =	sadd.s32 s5, s4;
	s4 =	sadd.s32 s25, s4;
	s25 =	simm.s32 $0x9900  }
0x14: {  	s5 =	sadd.s32 $0x1000, s26;
	s12 =	sadd.s32 $0xC00, s26;
	s13 =	sadd.s32 $0x800, s26  }
0x15: {  	s14 =	sadd.s32 $0x400, s26;
	s15 =	sadd.s32 s0, s4;
	s26 =	simm.s32 $0x1  }
0x16: {  	s0 =	simm.s32 $0x4;
	s4 =	simm.s32 $0x0;
	[dreg:$0xa] =	wrdreg s5  }
.LBB2_1:
0x17: {  	s5 =	rddreg [dreg:$0x3];
	s16 =	simm.s32 $0xB  }
0x18: {  	[tilespmem:s2], [sflag:$0xB] =	stream.linear.gather [hbm4b:s5+s2], $0x1900, $0x38;
	[tilespmem:$0xB900] =	vst v63  }
0x19: {  	_ =	swait.ge [sflag:s16], $0x1900  }
0x1a: {  	[sflag:s16] =	ssyncset.done $0x0  }
0x1b: {  	[sflag:s16] =	ssyncadd.s32 $0xFFFFE700  }
0x1c: {  	[tilespmem:s18], [sflag:$0x1] =	stream.indirect.gather [hbm4b:s3+s17], $0x40, s2, s17, $0xb8;
	[tilespmem:$0xB900] =	vst v63  }
0x1d: {  	_ = 	snop  }
0x1e: {  	[tilespmem:s19], [sflag:$0x2] =	stream.indirect.gather [hbm4b:s3+s17], $0x40, s17, s17, $0xb8;
	[tilespmem:$0xB900] =	vst v63  }
0x1f: {  	s6 =	simm.s32 $0x100  }
0x20: {  	[tilespmem:s21], [sflag:$0x3] =	stream.indirect.gather [hbm4b:s3+s17], $0x40, s6, s17, $0xb8;
	[tilespmem:$0xB900] =	vst v63  }
0x21: {  	s7 =	simm.s32 $0x180  }
0x22: {  	[tilespmem:s23], [sflag:$0x4] =	stream.indirect.gather [hbm4b:s3+s17], $0x40, s7, s17, $0xb8;
	[tilespmem:$0xB900] =	vst v63  }
0x23: {  	s8 =	simm.s32 $0x200  }
0x24: {  	[tilespmem:s25], [sflag:$0x5] =	stream.indirect.gather [hbm4b:s3+s17], $0x40, s8, s17, $0xb8;
	[tilespmem:$0xB900] =	vst v63  }
0x25: {  	_ =	swait.ge [sflag:s26], $0x2000  }
0x26: {  	[sflag:s26] =	ssyncset.done $0x0  }
0x27: {  	[sflag:s26] =	ssyncadd.s32 $0xFFFFE000  }
0x28: {  	[hbm4b:s15+s2] =	stream.linear.scatter [tilespmem:s18], [sflag:$0x6], $0x2000, $0x38;
	[tilespmem:$0xB900] =	vst v63  }
0x29: {  	_ =	swait.ge [sflag:s28], $0x2000  }
0x2a: {  	[sflag:s28] =	ssyncset.done $0x0  }
0x2b: {  	s9 =	simm.s32 $0x280;
	[sflag:s28] =	ssyncadd.s32 $0xFFFFE000  }
0x2c: {  	[tilespmem:s18], [sflag:$0x1] =	stream.indirect.gather [hbm4b:s3+s17], $0x40, s9, s17, $0xb8;
	[tilespmem:$0xB900] =	vst v63  }
0x2d: {  	_ =	swait.ge [sflag:s29], $0x2000  }
0x2e: {  	[sflag:s29] =	ssyncset.done $0x0  }
0x2f: {  	[sflag:s29] =	ssyncadd.s32 $0xFFFFE000  }
0x30: {  	[hbm4b:s14+s2] =	stream.linear.scatter [tilespmem:s19], [sflag:$0x7], $0x2000, $0x38;
	[tilespmem:$0xB900] =	vst v63  }
0x31: {  	_ =	swait.ge [sflag:s30], $0x2000  }
0x32: {  	[sflag:s30] =	ssyncset.done $0x0  }
0x33: {  	s10 =	simm.s32 $0x300;
	[sflag:s30] =	ssyncadd.s32 $0xFFFFE000  }
0x34: {  	[tilespmem:s19], [sflag:$0x2] =	stream.indirect.gather [hbm4b:s3+s17], $0x40, s10, s17, $0xb8;
	[tilespmem:$0xB900] =	vst v63  }
0x35: {  	_ =	swait.ge [sflag:s31], $0x2000  }
0x36: {  	[sflag:s31] =	ssyncset.done $0x0  }
0x37: {  	[sflag:s31] =	ssyncadd.s32 $0xFFFFE000  }
0x38: {  	[hbm4b:s13+s2] =	stream.linear.scatter [tilespmem:s21], [sflag:$0x8], $0x2000, $0x38;
	[tilespmem:$0xB900] =	vst v63  }
0x39: {  	_ =	swait.ge [sflag:s1], $0x2000  }
0x3a: {  	[sflag:s1] =	ssyncset.done $0x0  }
0x3b: {  	s11 =	simm.s32 $0x380;
	[sflag:s1] =	ssyncadd.s32 $0xFFFFE000  }
0x3c: {  	[tilespmem:s21], [sflag:$0x3] =	stream.indirect.gather [hbm4b:s3+s17], $0x40, s11, s17, $0xb8;
	[tilespmem:$0xB900] =	vst v63  }
0x3d: {  	_ =	swait.ge [sflag:s0], $0x2000  }
0x3e: {  	[sflag:s0] =	ssyncset.done $0x0  }
0x3f: {  	[sflag:s0] =	ssyncadd.s32 $0xFFFFE000  }
0x40: {  	[hbm4b:s12+s2] =	stream.linear.scatter [tilespmem:s23], [sflag:$0x9], $0x2000, $0x38;
	[tilespmem:$0xB900] =	vst v63  }
0x41: {  	_ =	swait.ge [sflag:s20], $0x2000  }
0x42: {  	[sflag:s20] =	ssyncset.done $0x0  }
0x43: {  	s16 =	simm.s32 $0x400;
	[sflag:s20] =	ssyncadd.s32 $0xFFFFE000  }
0x44: {  	[tilespmem:s23], [sflag:$0x4] =	stream.indirect.gather [hbm4b:s3+s17], $0x40, s16, s17, $0xb8;
	[tilespmem:$0xB900] =	vst v63  }
0x45: {  	_ =	swait.ge [sflag:s22], $0x2000  }
0x46: {  	[sflag:s22] =	ssyncset.done $0x0  }
0x47: {  	s5 =	simm.s32 $0xA00;
	s10 =	rddreg [dreg:$0xa];
	[sflag:s22] =	ssyncadd.s32 $0xFFFFE000  }
0x48: {  	[hbm4b:s10+s2] =	stream.linear.scatter [tilespmem:s25], [sflag:$0xA], $0x2000, $0x38;
	[tilespmem:$0xB900] =	vst v63  }
0x49: {  	s6 =	sadd.s32 $0x1400, s14;
	s7 =	sadd.s32 $0x1400, s15;
	_ =	swait.ge [sflag:s24], $0x2000  }
0x4a: {  	s8 =	sadd.s32 $0x1400, s12;
	s9 =	sadd.s32 $0x1400, s13;
	[sflag:s24] =	ssyncset.done $0x0  }
0x4b: {  	s16 =	simm.s32 $0x480;
	s10 =	sadd.s32 $0x1400, s10;
	[sflag:s24] =	ssyncadd.s32 $0xFFFFE000  }
.LBB2_2:
0x4c: {  	[tilespmem:s25], [sflag:$0x5] =	stream.indirect.gather [hbm4b:s3+s17], $0x40, s16, s17, $0xb8;
	[tilespmem:$0xB900] =	vst v63  }
0x4d: {  	s16 =	smov.u32 s5  }
0x4e: {  	p0 =	sne.s32 s5, $0x5000;
	s5 =	sadd.s32 $0xA00, s5;
	_ =	swait.ge [sflag:s26], $0x2000  }
0x4f: {  	[sflag:s26] =	ssyncset.done $0x0  }
0x50: {  	[sflag:s26] =	ssyncadd.s32 $0xFFFFE000  }
0x51: {  	[hbm4b:s7+s2] =	stream.linear.scatter [tilespmem:s18], [sflag:$0x6], $0x2000, $0x38;
	[tilespmem:$0xB900] =	vst v63  }
0x52: {  	_ =	swait.ge [sflag:s28], $0x2000  }
0x53: {  	s16 =	sshra.s32 s16, $0x2;
	[sflag:s28] =	ssyncset.done $0x0  }
0x54: {  	s11 =	sadd.s32 $0x280, s16;
	[sflag:s28] =	ssyncadd.s32 $0xFFFFE000  }
0x55: {  	[tilespmem:s18], [sflag:$0x1] =	stream.indirect.gather [hbm4b:s3+s17], $0x40, s11, s17, $0xb8;
	[tilespmem:$0xB900] =	vst v63  }
0x56: {  	_ =	swait.ge [sflag:s29], $0x2000  }
0x57: {  	[sflag:s29] =	ssyncset.done $0x0  }
0x58: {  	[sflag:s29] =	ssyncadd.s32 $0xFFFFE000  }
0x59: {  	[hbm4b:s6+s2] =	stream.linear.scatter [tilespmem:s19], [sflag:$0x7], $0x2000, $0x38;
	[tilespmem:$0xB900] =	vst v63  }
0x5a: {  	_ =	swait.ge [sflag:s30], $0x2000  }
0x5b: {  	[sflag:s30] =	ssyncset.done $0x0  }
0x5c: {  	s11 =	sadd.s32 $0x300, s16;
	[sflag:s30] =	ssyncadd.s32 $0xFFFFE000  }
0x5d: {  	[tilespmem:s19], [sflag:$0x2] =	stream.indirect.gather [hbm4b:s3+s17], $0x40, s11, s17, $0xb8;
	[tilespmem:$0xB900] =	vst v63  }
0x5e: {  	_ =	swait.ge [sflag:s31], $0x2000  }
0x5f: {  	[sflag:s31] =	ssyncset.done $0x0  }
0x60: {  	[sflag:s31] =	ssyncadd.s32 $0xFFFFE000  }
0x61: {  	[hbm4b:s9+s2] =	stream.linear.scatter [tilespmem:s21], [sflag:$0x8], $0x2000, $0x38;
	[tilespmem:$0xB900] =	vst v63  }
0x62: {  	_ =	swait.ge [sflag:s1], $0x2000  }
0x63: {  	[sflag:s1] =	ssyncset.done $0x0  }
0x64: {  	s11 =	sadd.s32 $0x380, s16;
	[sflag:s1] =	ssyncadd.s32 $0xFFFFE000  }
0x65: {  	[tilespmem:s21], [sflag:$0x3] =	stream.indirect.gather [hbm4b:s3+s17], $0x40, s11, s17, $0xb8;
	[tilespmem:$0xB900] =	vst v63  }
0x66: {  	_ =	swait.ge [sflag:s0], $0x2000  }
0x67: {  	[sflag:s0] =	ssyncset.done $0x0  }
0x68: {  	[sflag:s0] =	ssyncadd.s32 $0xFFFFE000  }
0x69: {  	[hbm4b:s8+s2] =	stream.linear.scatter [tilespmem:s23], [sflag:$0x9], $0x2000, $0x38;
	[tilespmem:$0xB900] =	vst v63  }
0x6a: {  	_ =	swait.ge [sflag:s20], $0x2000  }
0x6b: {  	[sflag:s20] =	ssyncset.done $0x0  }
0x6c: {  	s11 =	sadd.s32 $0x400, s16;
	[sflag:s20] =	ssyncadd.s32 $0xFFFFE000  }
0x6d: {  	[tilespmem:s23], [sflag:$0x4] =	stream.indirect.gather [hbm4b:s3+s17], $0x40, s11, s17, $0xb8;
	[tilespmem:$0xB900] =	vst v63  }
0x6e: {  	_ =	swait.ge [sflag:s22], $0x2000  }
0x6f: {  	[sflag:s22] =	ssyncset.done $0x0  }
.Ltmp0:
0x70: {  	[sflag:s22] =	ssyncadd.s32 $0xFFFFE000;
	(pc) =	sbr.rel @p0 .LBB2_2-.Ltmp0, $4  }
0x71: {  	[hbm4b:s10+s2] =	stream.linear.scatter [tilespmem:s25], [sflag:$0xA], $0x2000, $0x38;
	[tilespmem:$0xB900] =	vst v63  }
0x72: {  	s7 =	sadd.s32 $0x1400, s7;
	s6 =	sadd.s32 $0x1400, s6;
	_ =	swait.ge [sflag:s24], $0x2000  }
0x73: {  	s9 =	sadd.s32 $0x1400, s9;
	s8 =	sadd.s32 $0x1400, s8;
	[sflag:s24] =	ssyncset.done $0x0  }
0x74: {  	s16 =	sadd.s32 $0x480, s16;
	s10 =	sadd.s32 $0x1400, s10;
	[sflag:s24] =	ssyncadd.s32 $0xFFFFE000  }
0x75: {  	[tilespmem:s25], [sflag:$0x5] =	stream.indirect.gather [hbm4b:s3+s17], $0x40, s16, s17, $0xb8;
	[tilespmem:$0xB900] =	vst v63  }
0x76: {  	_ =	swait.ge [sflag:s26], $0x2000  }
0x77: {  	[sflag:s26] =	ssyncset.done $0x0  }
0x78: {  	s5 =	rddreg [dreg:$0x4];
	[sflag:s26] =	ssyncadd.s32 $0xFFFFE000  }
0x79: {  	[hbm4b:s5+s2] =	stream.linear.scatter [tilespmem:s18], [sflag:$0x6], $0x2000, $0x38;
	[tilespmem:$0xB900] =	vst v63  }
0x7a: {  	_ =	swait.ge [sflag:s29], $0x2000  }
0x7b: {  	[sflag:s29] =	ssyncset.done $0x0  }
0x7c: {  	s8 =	rddreg [dreg:$0x5];
	[sflag:s29] =	ssyncadd.s32 $0xFFFFE000  }
0x7d: {  	[hbm4b:s8+s2] =	stream.linear.scatter [tilespmem:s19], [sflag:$0x7], $0x2000, $0x38;
	[tilespmem:$0xB900] =	vst v63  }
0x7e: {  	_ =	swait.ge [sflag:s31], $0x2000  }
0x7f: {  	[sflag:s31] =	ssyncset.done $0x0  }
0x80: {  	s9 =	rddreg [dreg:$0x6];
	[sflag:s31] =	ssyncadd.s32 $0xFFFFE000  }
0x81: {  	[hbm4b:s9+s2] =	stream.linear.scatter [tilespmem:s21], [sflag:$0x8], $0x2000, $0x38;
	[tilespmem:$0xB900] =	vst v63  }
0x82: {  	_ =	swait.ge [sflag:s0], $0x2000  }
0x83: {  	[sflag:s0] =	ssyncset.done $0x0  }
0x84: {  	s10 =	rddreg [dreg:$0x7];
	[sflag:s0] =	ssyncadd.s32 $0xFFFFE000  }
0x85: {  	[hbm4b:s10+s2] =	stream.linear.scatter [tilespmem:s23], [sflag:$0x9], $0x2000, $0x38;
	[tilespmem:$0xB900] =	vst v63  }
0x86: {  	_ =	swait.ge [sflag:s22], $0x2000  }
0x87: {  	[sflag:s22] =	ssyncset.done $0x0  }
0x88: {  	s11 =	rddreg [dreg:$0x8];
	[sflag:s22] =	ssyncadd.s32 $0xFFFFE000  }
0x89: {  	[hbm4b:s11+s2] =	stream.linear.scatter [tilespmem:s25], [sflag:$0xA], $0x2000, $0x38;
	[tilespmem:$0xB900] =	vst v63  }
0x8a: {  	_ =	swait.ge [sflag:s28], $0x2000  }
0x8b: {  	[sflag:s28] =	ssyncset.done $0x0  }
0x8c: {  	[sflag:s28] =	ssyncadd.s32 $0xFFFFE000  }
0x8d: {  	_ =	swait.ge [sflag:s30], $0x2000  }
0x8e: {  	[sflag:s30] =	ssyncset.done $0x0  }
0x8f: {  	[sflag:s30] =	ssyncadd.s32 $0xFFFFE000  }
0x90: {  	_ =	swait.ge [sflag:s1], $0x2000  }
0x91: {  	[sflag:s1] =	ssyncset.done $0x0  }
0x92: {  	[sflag:s1] =	ssyncadd.s32 $0xFFFFE000  }
0x93: {  	_ =	swait.ge [sflag:s20], $0x2000  }
0x94: {  	[sflag:s20] =	ssyncset.done $0x0  }
0x95: {  	[sflag:s20] =	ssyncadd.s32 $0xFFFFE000  }
0x96: {  	_ =	swait.ge [sflag:s24], $0x2000  }
0x97: {  	s4 =	sadd.s32 $0x1, s4;
	s16 =	rddreg [dreg:$0x9]  }
0x98: {  	p0 =	sne.s32 s4, s16  }
.Ltmp1:
0x99: {  	_ = 	snop;
	(pc) =	sbr.rel @p0 .LBB2_1-.Ltmp1, $3  }
0x9a: {  	_ =	sdelay $0x1  }
0x9b: {  	[sflag:s24] =	ssyncset.done $0x0  }
0x9c: {  	[sflag:s24] =	ssyncadd.s32 $0xFFFFE000  }
0x9d: {  	_ =	sfence.sel $0x180000  }
0x9e: {  	[bflag:$0x0] =	sbarrier.arrive $0xFFFF  }
0x9f: {  	_ =	strace $0x90000047  }
0xa0: {  	s0 =	stileid.u32;
	[bflag:$0x2] =	sbarrier.arrive $0xFFFF  }
0xa1: {  	p0 =	sne.s32 s0, $0x0;
	s0 =	rddreg [dreg:$0x2]  }
0xa2: {  	s0 =	sadd.s32 @!p0 $0x100000, s0  }
0xa3: {  	[sflag:s0] =	ssyncadd.tile.s32 @!p0 $0x1;
	_ =	shalt  }
.Lfunc_end2:
_tile_overlayer_lowered:
.L_overlay_start_2:
0xa4: {  	(tag) =	ssettag $0x2  }
0xa5: {  	s0 =	rddreg [dreg:$0x0];
	s2 =	stileid.u32  }
0xa6: {  	s1 =	rddreg [dreg:$0x1];
	p0 =	sne.s32 s2, $0x0  }
0xa7: {  	s3 =	rddreg [dreg:$0x2];
	[bflag:$0x3] =	sbarrier.arrive $0xFFFF;
	s2 =	simm.s32 @!p0 $0x1C0B  }
0xa8: {  	[timem:s3], [sflag:s2] =	dma.local @!p0 [hbm:s0], s1  }
0xa9: {  	s0 =	simm.s32 @!p0 $0xB  }
0xaa: {  	_ =	swait.ge @!p0 [sflag:s0], s1  }
0xab: {  	s1 =	ssub.s32 @!p0 $0x0, s1;
	[sflag:s0] =	ssyncset.done @!p0 $0x0  }
0xac: {  	[sflag:s0] =	ssyncadd.s32 @!p0 s1  }
0xad: {  	[bflag:$0x3] =	sbarrier.arrive $0xFFFF  }
0xae: {  	_ =	shalt  }

// kernel: sparse-core-data-format-call.cloned.1.call-start
scs
called_computation_lowered:
.L_overlay_start_0:
0x0: {  	s2 =	sld [smem:$0x3FD9]  }
0x1: {  	s3 =	sld [smem:$0x3FFE];
	_ =	sdelay $0x1  }
0x2: {  	s1 =	srdreg.scid  }
0x3: {  	s0 =	sand.u32 $0x1, s1  }
0x4: {  	s18 =	sshll.u32 s0, $0xA;
	s2 =	sadd.s32 s3, s2  }
0x5: {  	s2 =	sadd.s32 s2, s18  }
0x6: {  	[smem:$0x3FC6] =	sst s2  }
0x7: {  	_ = 	snop  }
0x8: {  	s2 =	sld [smem:$0x3FD0];
	(tm) =	ssettm $0x1  }
0x9: {  	s19 =	sld [smem:$0x3FFB];
	_ =	sdelay $0x3  }
0xa: {  	_ =	strace s19  }
0xb: {  	s3 =	sld [smem:$0x3FFC];
	_ =	sdelay $0x3  }
0xc: {  	_ =	strace s3  }
0xd: {  	s3 =	sld [smem:$0x3FFD];
	_ =	sdelay $0x3  }
0xe: {  	_ =	strace s3  }
0xf: {  	_ =	strace $0x8FFFFFFF  }
0x10: {  	s20 =	sld [smem:$0x3FDB];
	_ =	sdelay $0x1  }
0x11: {  	s4 =	simm.s32 $_scs_section_size  }
0x12: {  	s5 =	simm.s32 $_size__tile_overlayer_lowered;
	s6 =	simm.s32 $_tile_overlayer_lowered  }
0x13: {  	s23 =	simm.s32 $0x1BFF;
	s22 =	sshll.u32 s6, $0x1;
	s3 =	sadd.s32 s4, s20  }
0x14: {  	s7 =	simm.s32 $0x0;
	s21 =	sshll.u32 s5, $0x1;
	s5 =	sadd.s32 s22, s3  }
0x15: {  	[timem:s7], [sflag:s23] =	dma.local [hbm:s5], s21  }
0x16: {  	_ =	swait.ge [sflag:s23], s21  }
0x17: {  	s4 =	ssub.s32 $0x0, s21;
	[sflag:s23] =	ssyncset.done $0x0  }
0x18: {  	[sflag:s23] =	ssyncadd.s32 s4;
	_ =	sdelay $0x1  }
0x19: {  	s24 =	simm.s32 $0x1B8B  }
0x1a: {  	_ =	swait.ge [sflag:s24], $0x1  }
0x1b: {  	[sflag:s24] =	ssyncset.done $0x0  }
0x1c: {  	s26 =	simm.s32 $0x1B8E;
	s25 =	sld [smem:$0x3FFE];
	[sflag:s24] =	ssyncadd.s32 $0xFFFFFFFF  }
0x1d: {  	s27 =	simm.s32 $execute0_lowered;
	[smem:$0x3FD2] =	sst s26  }
0x1e: {  	s5 =	sshll.u32 s27, $0x1;
	_ =	strace $0x80000049;
	[dreg:$0x1] =	wrdreg $0xFFFFFFFF  }
0x1f: {  	s28 =	simm.s32 $_size_execute0_lowered;
	s3 =	sadd.s32 s3, s5;
	[dreg:$0x0] =	wrdreg $0x0  }
0x20: {  	s5 =	sshll.u32 s28, $0x1;
	[dreg:$0x2] =	wrdreg s3  }
0x21: {  	[dreg:$0x3] =	wrdreg s5  }
0x22: {  	[dreg:$0x4] =	wrdreg $0xC0  }
0x23: {  	_ =	task [dreg:s7], $0x5FFFF  }
0x24: {  	[dreg:$0x1] =	wrdreg $0xFFFFFFFF  }
0x25: {  	[dreg:$0x0] =	wrdreg $0x60  }
0x26: {  	[dreg:$0x2] =	wrdreg s25  }
0x27: {  	[dreg:$0x3] =	wrdreg s2  }
0x28: {  	[dreg:$0x4] =	wrdreg $0x9  }
0x29: {  	_ =	task.clear_ibuf [dreg:s7], $0x5FFFF;
	_ =	strace $0x90000049  }
0x2a: {  	s29 =	simm.s32 $0x9;
	_ =	strace $0x8000004B  }
0x2b: {  	_ =	swait.ge [sflag:s29], $0x1  }
0x2c: {  	[sflag:s29] =	ssyncadd.s32 $0xFFFFFFFF  }
0x2d: {  	_ =	strace $0x9000004B  }
0x2e: {  	_ =	sfence  }
0x2f: {  	s30 =	sld [smem:$0x0];
	_ =	sdelay $0x2  }
0x30: {  	s31 =	sshll.u32 s1, $0xD;
	s1 =	sshrl.u32 s1, $0x2  }
0x31: {  	s3 =	sand.u32 $0x4000, s31;
	s1 =	sadd.s32 s1, s30  }
0x32: {  	s0 =	sor.u32 s3, s0;
	s1 =	sshll.u32 s1, $0x11  }
0x33: {  	s0 =	sor.u32 s1, s0  }
0x34: {  	s0 =	sadd.s32 $0x8F2B, s0  }
0x35: {  	[sflag:s0] =	ssyncadd.remote.s32 $0x1  }
0x36: {  	_ =	sfence.sel $0xFFFF  }
0x37: {  	[dreg:$0x0] =	wrdreg $0xFFFFFFFF;
	(pc) =	sbr.abs _section_cstart, $3  }
0x38: {  	[dreg:$0x1] =	wrdreg $0xFFFFFFFF  }
0x39: {  	_ =	task.clear_ibuf [dreg:s7], $0x2FFFF;
	_ =	strace $0x9FFFFFFF  }
0x3a: {  	(tm) =	ssettm $0x7FFFFFFF  }
0x3b: {  	_ =	shalt  }
tec
execute0_lowered:
.L_overlay_start_1:
0x0: {  	(tag) =	ssettag $0x1  }
0x1: {  	s0 =	srdreg.scid  }
0x2: {  	s1 =	sshll.u32 s0, $0x4  }
0x3: {  	s0 =	stileid.u32;
	s1 =	sand.u32 $0x10, s1  }
0x4: {  	s1 =	sor.u32 s0, s1  }
0x5: {  	s6 =	rddreg [dreg:$0x0];
	s4 =	simm.s32 $0x1;
	s2 =	sshll.u32 s1, $0x7  }
0x6: {  	s7 =	simm.s32 $0x2;
	s12 =	simm.s32 $0x0;
	s1 =	ssub.s32 $0x1000, s2  }
0x7: {  	s8 =	simm.s32 $0x8000;
	s13 =	simm.s32 $0x0;
	s3 =	sand.u32 $0xF80, s1  }
0x8: {  	s9 =	simm.s32 $0x0;
	s5 =	sshrl.u32 s1, $0xC;
	p0 =	sne.s32 s3, $0x0  }
.Ltmp0:
0x9: {  	s1 =	rddreg [dreg:$0x2];
	s4 =	simm.s32 @!p0 $0x0;
	(pc) =	sbr.rel .LBB1_1-.Ltmp0, $4  }
0xa: {  	s11 =	simm.s32 $0x0;
	s3 =	rddreg [dreg:$0x1];
	s5 =	sadd.s32 s4, s5  }
0xb: {  	_ =	strace $0x8000004A;
	s4 =	simm.s32 $0x1;
	s5 =	smul.u32 $0x32, s5  }
0xc: {  	s6 =	sadd.s32 $0xA00, s6;
	s10 =	smov.u32 s2;
	[sflag:s4] =	ssyncpa.u1 $0x0  }
0xd: {  	p0 =	por $0x0, $0x0;
	[sflag:s7] =	ssyncpa.u1 $0x0;
	s7 =	sor.u32 $0x1, s5  }
.LBB1_4:
0xe: {  	s16 =	sshll.u32 s13, $0x3;
	s17 =	sand.u32 $0x78, s13  }
0xf: {  	s30 =	sand.u32 $0x7E00, s13;
	s12 =	sshll.u32 s12, $0xF;
	s16 =	sand.u32 $0xC00, s16  }
0x10: {  	[tilespmem:s15+$0x810 ss:$0x81] =	vst.msk $0xffff, v2;
	s31 =	sand.u32 $0x7, s13;
	s16 =	sor.u32 s17, s16;
	s17 =	sadd.s32 s3, s30  }
0x11: {  	[tilespmem:s15+$0x1020 ss:$0x81] =	vst.msk $0xffff, v0;
	s13 =	sshll.u32 s31, $0x12;
	s12 =	sadd.s32 s12, s17;
	s16 =	sshrl.u32 s16, $0x3  }
0x12: {  	[tilespmem:s15+$0x0 ss:$0x81] =	vst.msk $0xffff, v1;
	s13 =	sor.u32 $0x400, s13;
	s12 =	sadd.s32 s16, s12  }
0x13: {  	[hbm4b:s12+s13] =	stream.strided.scatter [tilespmem:s14], [sflag:$0x2], $0x2000, s8, s13, $0x20;
	[tilespmem:$0x8080] =	vst v63  }
.LBB1_5:
0x14: {  	s14 =	sadd.s32 $0x1, s9  }
0x15: {  	s12 =	sadd.s32 $0x1000, s10;
	s16 =	smov.u32 s10;
	p2 =	sgt.s32 s14, $0x31  }
0x16: {  	s16 =	smov.u32 @p2 s12  }
0x17: {  	s14 =	simm.s32 @p2 $0x0;
	p2 =	sgt.s32 s16, $0xFFF  }
0x18: {  	s16 =	smov.u32 @p2 s2;
	p2 =	sne.s32 s11, s7  }
.Ltmp1:
0x19: {  	p1 =	slt.u32 s11, $0x2;
	(pc) =	sbr.rel @!p2 .LBB1_6-.Ltmp1, $4  }
0x1a: {  	s15 =	simm.s32 @!p1 $0x2  }
0x1b: {  	s13 =	smov.u32 s10;
	p0 =	por !p0, !p0;
	_ =	swait.ge @!p1 [sflag:s15], $0x2000  }
0x1c: {  	s12 =	smov.u32 s9;
	[sflag:s15] =	ssyncset.done @!p1 $0x0;
	s9 =	smov.u32 s14  }
0x1d: {  	s11 =	sadd.s32 $0x1, s11;
	[sflag:s15] =	ssyncadd.s32 @!p1 $0xFFFFE000;
	s10 =	smov.u32 s16  }
.LBB1_1:
0x1e: {  	p1 =	sge.u32 s11, s5  }
0x1f: {  	s14 =	sand.u32 @!p1 $0x1FFFFFF, s9  }
0x20: {  	s15 =	smulhi.u32 @!p1 $0x4924925, s14;
	_ =	sdelay $0x1  }
0x21: {  	s15 =	smul.u32 @!p1 $0x38, s15  }
0x22: {  	s16 =	sxor.u32 @!p1 $0xFFFFFFFF, s11;
	s17 =	smul.u32 @!p1 $0x380, s10  }
0x23: {  	s31 =	sadd.s32 $0xFFFFFFFF, s11;
	s16 =	sshll.u32 @!p1 s16, $0xD;
	s14 =	ssub.s32 @!p1 s14, s15  }
0x24: {  	s15 =	sand.u32 @!p1 $0x2000, s16;
	s16 =	sadd.s32 @!p1 s6, s17;
	s14 =	sshll.u32 @!p1 s14, $0x4  }
0x25: {  	s17 =	simm.s32 @!p1 $0x1C00;
	s14 =	sadd.s32 @!p1 s14, s16;
	s16 =	simm.s32 @!p1 $0x40  }
0x26: {  	[tilespmem:s15], [sflag:$0x1] =	stream.strided.gather @!p1 [hbm4b:s14+s16], $0x2000, s17, s16, $0x38;
	[tilespmem:$0x8080] =	vst v63  }
0x27: {  	p1 =	sge.u32 s31, s5  }
.Ltmp2:
0x28: {  	_ = 	snop;
	(pc) =	sbr.rel @p1 .LBB1_5-.Ltmp2, $1  }
0x29: {  	_ =	sdelay $0x3  }
0x2a: {  	s14 =	simm.s32 $0x1  }
0x2b: {  	_ =	swait.ge [sflag:s4], $0x2000;
	s14 =	simm.s32 @!p0 $0x0  }
0x2c: {  	[sflag:s4] =	ssyncset.done $0x0;
	s15 =	sshll.u32 s14, $0xD  }
0x2d: {  	[sflag:s4] =	ssyncadd.s32 $0xFFFFE000;
	s18 =	sor.u32 $0x20, s15  }
0x2e: {  	s14 =	smul.u32 $0x8100, s14;
	v3 =	vld [tilespmem:s18+$0x10]  }
0x2f: {  	s30 =	sand.u32 $0x1, s11;
	v2 =	vld [tilespmem:s18+$0xFFFFFFF0]  }
0x30: {  	s15 =	smul.u32 $0x8100, s30;
	s14 =	sshrl.u32 s14, $0x2;
	v0 =	vld [tilespmem:s18+$0x0]  }
0x31: {  	v1 =	vld [tilespmem:s18+$0xFFFFFFE0];
	s16 =	sor.u32 $0x4000, s14  }
0x32: {  	s31 =	sshrl.u32 s15, $0x2;
	s15 =	sadd.s32 $0x0, s16  }
0x33: {  	s17 =	simm.s32 $0x4;
	s18 =	sadd.s32 $0x40, s18;
	s14 =	sor.u32 $0x4000, s31;
	[tilespmem:s15+$0x1830 ss:$0x81] =	vst.msk $0xffff, v3  }
.LBB1_3:
0x34: {  	v3 =	vld [tilespmem:s18+$0x10];
	p1 =	sne.s32 s17, $0x1FC;
	[tilespmem:s15+$0x810 ss:$0x81] =	vst.msk $0xffff, v2;
	s19 =	smov.u32 s17;
	s17 =	sadd.s32 $0x4, s17  }
.Ltmp3:
0x35: {  	v2 =	vld [tilespmem:s18+$0xFFFFFFF0];
	[tilespmem:s15+$0x1020 ss:$0x81] =	vst.msk $0xffff, v0;
	(pc) =	sbr.rel @p1 .LBB1_3-.Ltmp3, $4  }
0x36: {  	v0 =	vld [tilespmem:s18+$0x0];
	[tilespmem:s15+$0x0 ss:$0x81] =	vst.msk $0xffff, v1  }
0x37: {  	s15 =	sshra.s32 s19, $0x2;
	v1 =	vld [tilespmem:s18+$0xFFFFFFE0]  }
0x38: {  	s15 =	sadd.s32 s15, s16  }
0x39: {  	s18 =	sadd.s32 $0x40, s18;
	[tilespmem:s15+$0x1830 ss:$0x81] =	vst.msk $0xffff, v3  }
.Ltmp4:
0x3a: {  	_ = 	snop;
	(pc) =	sbr.rel .LBB1_4-.Ltmp4, $1  }
0x3b: {  	_ =	sdelay $0x3  }
.LBB1_6:
0x3c: {  	_ =	sfence.sel $0x180000  }
0x3d: {  	s2 =	simm.s32 $0x1;
	[bflag:$0x0] =	sbarrier.arrive $0xFFFF  }
0x3e: {  	s31 =	simm.s32 $0x2;
	[sflag:s2] =	ssyncpa.u1 $0x1  }
0x3f: {  	[sflag:s31] =	ssyncpa.u1 $0x1  }
0x40: {  	p0 =	sne.s32 s0, $0x0;
	_ =	strace $0x9000004A  }
0x41: {  	s0 =	sadd.s32 @!p0 $0x100000, s1;
	[bflag:$0x2] =	sbarrier.arrive $0xFFFF  }
0x42: {  	[sflag:s0] =	ssyncadd.tile.s32 @!p0 $0x1;
	_ =	shalt  }
.Lfunc_end1:
_tile_overlayer_lowered:
.L_overlay_start_2:
0x43: {  	(tag) =	ssettag $0x2  }
0x44: {  	s0 =	rddreg [dreg:$0x0];
	s2 =	stileid.u32  }
0x45: {  	s1 =	rddreg [dreg:$0x1];
	p0 =	sne.s32 s2, $0x0  }
0x46: {  	s3 =	rddreg [dreg:$0x2];
	[bflag:$0x3] =	sbarrier.arrive $0xFFFF;
	s2 =	simm.s32 @!p0 $0x1C01  }
0x47: {  	[timem:s3], [sflag:s2] =	dma.local @!p0 [hbm:s0], s1  }
0x48: {  	s0 =	simm.s32 @!p0 $0x1  }
0x49: {  	_ =	swait.ge @!p0 [sflag:s0], s1  }
0x4a: {  	s1 =	ssub.s32 @!p0 $0x0, s1;
	[sflag:s0] =	ssyncset.done @!p0 $0x0  }
0x4b: {  	[sflag:s0] =	ssyncadd.s32 @!p0 s1  }
0x4c: {  	[bflag:$0x3] =	sbarrier.arrive $0xFFFF  }
0x4d: {  	_ =	shalt  }

</sc_bundles>
